<compile_context>
chip_gen: v7x
topology: tpu7x:2x2x1
jax: 0.10.2.dev20260603
libtpu: 0.0.44.dev20260713+nightly
codegen_flags: <defaults>
</compile_context>

<pallas_src>
import functools

import jax
import jax.numpy as jnp
from jax import lax
from jax.experimental import pallas as pl
from jax.experimental.pallas import tpu as pltpu
from jax.experimental.pallas import tpu_sc as plsc

_LANES = 128
_H_PAD = 1024
_O_PAD = 128
_BB = 4096


_NBUF = 7


def _gather_body(rows_half, emb_hbm, idx1_hbm, idx2_hbm, out_hbm,
                 idx_v, *scratch):
    bufs = scratch[:_NBUF]
    gsems = scratch[_NBUF:2 * _NBUF]
    wsems = scratch[2 * _NBUF:3 * _NBUF]
    nc = 2
    n_half = rows_half * 32
    wid = lax.axis_index("s") * nc + lax.axis_index("c")
    base = wid * rows_half
    pltpu.sync_copy(idx1_hbm.at[pl.ds(base, rows_half)],
                    idx_v.at[pl.ds(0, rows_half)])
    pltpu.sync_copy(idx2_hbm.at[pl.ds(base, rows_half)],
                    idx_v.at[pl.ds(rows_half, rows_half)])
    total = 2 * rows_half
    gathers = [None] * total
    writes = [None] * total
    for j in range(min(_NBUF, total)):
        gathers[j] = pltpu.async_copy(emb_hbm.at[idx_v.at[j]], bufs[j], gsems[j])
    for j in range(total):
        b = j % _NBUF
        out_row = base + j if j < rows_half else n_half + base + (j - rows_half)
        gathers[j].wait()
        writes[j] = pltpu.async_copy(
            bufs[b], out_hbm.at[pl.ds(out_row * _LANES, _LANES)], wsems[b])
        nxt = j + _NBUF
        if nxt < total:
            writes[j].wait()
            gathers[nxt] = pltpu.async_copy(
                emb_hbm.at[idx_v.at[nxt]], bufs[b], gsems[b])
            writes[j] = None
    for j in range(total):
        if writes[j] is not None:
            writes[j].wait()


def _sc_gather(emb, idx1, idx2):
    b, d = idx1.shape[0], emb.shape[1]
    info = plsc.get_sparse_core_info()
    nw = info.num_cores * info.num_subcores
    rows_half = b // (nw * _LANES)
    i1 = idx1.astype(jnp.int32).reshape(nw * rows_half, _LANES)
    i2 = idx2.astype(jnp.int32).reshape(nw * rows_half, _LANES)
    mesh = plsc.VectorSubcoreMesh(core_axis_name="c", subcore_axis_name="s")
    f = pl.kernel(
        functools.partial(_gather_body, rows_half),
        out_type=jax.ShapeDtypeStruct((2 * b, d), jnp.float32),
        mesh=mesh,
        scratch_types=(
            [pltpu.VMEM((2 * rows_half, _LANES), jnp.int32)]
            + [pltpu.VMEM((_LANES, d), jnp.float32)] * _NBUF
            + [pltpu.SemaphoreType.DMA] * (2 * _NBUF)
        ),
    )
    return f(emb, i1, i2)


def _mlp_body(o_dim, g_ref, w1a_ref, w1b_ref, b1_ref, w2_ref, b2_ref, out_ref):
    g1 = g_ref[0].astype(jnp.bfloat16)
    g2 = g_ref[1].astype(jnp.bfloat16)
    h = jnp.dot(g1, w1a_ref[...], preferred_element_type=jnp.float32)
    h = h + jnp.dot(g2, w1b_ref[...], preferred_element_type=jnp.float32)
    h = jnp.maximum(h + b1_ref[...], 0.0).astype(jnp.bfloat16)
    o = jnp.dot(h, w2_ref[...], preferred_element_type=jnp.float32) + b2_ref[...]
    m = jnp.max(o, axis=1, keepdims=True)
    e = jnp.exp(o - m)
    out_ref[...] = e * (1.0 / jnp.sum(e, axis=1, keepdims=True))


def _mlp(g3, w1a, w1b, b1p, w2p, b2p, o_dim, interpret=False):
    _, b, d = g3.shape
    return pl.pallas_call(
        functools.partial(_mlp_body, o_dim),
        grid=(b // _BB,),
        in_specs=[
            pl.BlockSpec((2, _BB, d), lambda i: (0, i, 0)),
            pl.BlockSpec((d, _H_PAD), lambda i: (0, 0)),
            pl.BlockSpec((d, _H_PAD), lambda i: (0, 0)),
            pl.BlockSpec((1, _H_PAD), lambda i: (0, 0)),
            pl.BlockSpec((_H_PAD, _O_PAD), lambda i: (0, 0)),
            pl.BlockSpec((1, _O_PAD), lambda i: (0, 0)),
        ],
        out_specs=pl.BlockSpec((_BB, _O_PAD), lambda i: (i, 0)),
        out_shape=jax.ShapeDtypeStruct((b, _O_PAD), jnp.float32),
        interpret=interpret,
    )(g3, w1a, w1b, b1p, w2p, b2p)[:, :o_dim]


def kernel(in1, in2, emb, W1, b1, W2, b2):
    b = in1.shape[0]
    d = emb.shape[1]
    h = W1.shape[1]
    o = W2.shape[1]
    g = _sc_gather(emb, in1, in2)
    g3 = g.reshape(2, b, d)
    w1a = jnp.pad(W1[:d], ((0, 0), (0, _H_PAD - h))).astype(jnp.bfloat16)
    w1b = jnp.pad(W1[d:], ((0, 0), (0, _H_PAD - h))).astype(jnp.bfloat16)
    b1p = jnp.pad(b1, (0, _H_PAD - h)).reshape(1, _H_PAD).astype(jnp.bfloat16)
    w2p = jnp.pad(W2, ((0, _H_PAD - h), (0, _O_PAD - o))).astype(jnp.bfloat16)
    b2p = jnp.pad(b2, (0, _O_PAD - o), constant_values=-1e30).reshape(1, _O_PAD)
    return _mlp(g3, w1a, w1b, b1p, w2p, b2p, o)

# --- scband reference (transcript-rebuilt; emitter-appended) ---
"""Pipeline reference for scband-relation-model-1133871366398 (READ-ONLY COPY).

The authoritative reference and input builder live on the scoring server;
editing this copy changes nothing except your own understanding.
"""

import jax, jax.numpy as jnp
import numpy as np

V, D, H, O, B = 100000, 128, 1000, 100, 16384

def setup_inputs(seed: int = 0) -> dict:
    key = jax.random.key(seed)
    k1, k2, k3, k4, k5 = jax.random.split(key, 5)
    return {
        "in1": jax.random.randint(k1, (B,), 0, V, dtype=jnp.int64 if jax.config.jax_enable_x64 else jnp.int32),
        "in2": jax.random.randint(k2, (B,), 0, V, dtype=jnp.int64 if jax.config.jax_enable_x64 else jnp.int32),
        "emb": jax.random.normal(k3, (V, D), dtype=jnp.float32) * 0.02,
        "W1": jax.random.normal(k4, (2 * D, H), dtype=jnp.float32) * 0.02,
        "b1": jnp.zeros((H,), jnp.float32),
        "W2": jax.random.normal(k5, (H, O), dtype=jnp.float32) * 0.02,
        "b2": jnp.zeros((O,), jnp.float32),
    }

def reference(in1, in2, emb, W1, b1, W2, b2):
    # embedding lookups
    emb1 = jnp.take(emb, in1, axis=0)
    emb2 = jnp.take(emb, in2, axis=0)
    # concat along feature dim
    in_cat = jnp.concatenate([emb1, emb2], axis=1)
    # dense1 + ReLU
    out = jax.nn.relu(in_cat @ W1 + b1)
    # dense2
    out = out @ W2 + b2
    # final softmax (note: module applies F.softmax, not sigmoid, in forward)
    y_pred = jax.nn.softmax(out, axis=1)
    return y_pred

if __name__ == "__main__":
    import jax
    _d = setup_inputs()
    print(jax.jit(kernel)(*tuple(_d.values())))

</pallas_src>

<mosaic_0001>
#map = affine_map<(d0, d1) -> (0, 0)>
module attributes {stable_mosaic.version = 14 : i64} {
  func.func @_gather_body(%arg0: i32, %arg1: i32, %arg2: memref<100000x128xf32, #tpu.memory_space<hbm>>, %arg3: memref<128x128xi32, #tpu.memory_space<hbm>>, %arg4: memref<128x128xi32, #tpu.memory_space<hbm>>, %arg5: memref<32768x128xf32, #tpu.memory_space<hbm>>, %arg6: memref<8x128xi32, #tpu.memory_space<vmem>>, %arg7: memref<128x128xf32, #tpu.memory_space<vmem>>, %arg8: memref<128x128xf32, #tpu.memory_space<vmem>>, %arg9: memref<128x128xf32, #tpu.memory_space<vmem>>, %arg10: memref<128x128xf32, #tpu.memory_space<vmem>>, %arg11: memref<128x128xf32, #tpu.memory_space<vmem>>, %arg12: memref<128x128xf32, #tpu.memory_space<vmem>>, %arg13: memref<128x128xf32, #tpu.memory_space<vmem>>, %arg14: memref<!tpu.dma_semaphore, #tpu.memory_space<semaphore_mem>>, %arg15: memref<!tpu.dma_semaphore, #tpu.memory_space<semaphore_mem>>, %arg16: memref<!tpu.dma_semaphore, #tpu.memory_space<semaphore_mem>>, %arg17: memref<!tpu.dma_semaphore, #tpu.memory_space<semaphore_mem>>, %arg18: memref<!tpu.dma_semaphore, #tpu.memory_space<semaphore_mem>>, %arg19: memref<!tpu.dma_semaphore, #tpu.memory_space<semaphore_mem>>, %arg20: memref<!tpu.dma_semaphore, #tpu.memory_space<semaphore_mem>>, %arg21: memref<!tpu.dma_semaphore, #tpu.memory_space<semaphore_mem>>, %arg22: memref<!tpu.dma_semaphore, #tpu.memory_space<semaphore_mem>>, %arg23: memref<!tpu.dma_semaphore, #tpu.memory_space<semaphore_mem>>, %arg24: memref<!tpu.dma_semaphore, #tpu.memory_space<semaphore_mem>>, %arg25: memref<!tpu.dma_semaphore, #tpu.memory_space<semaphore_mem>>, %arg26: memref<!tpu.dma_semaphore, #tpu.memory_space<semaphore_mem>>, %arg27: memref<!tpu.dma_semaphore, #tpu.memory_space<semaphore_mem>>) attributes {dimension_semantics = [#tpu.dimension_semantics<core_parallel>, #tpu.dimension_semantics<subcore_parallel>], iteration_bounds = array<i64: 2, 16>, scalar_prefetch = 0 : i64, scratch_operands = 22 : i64, tpu.core_type = #tpu.core_type<sc_vector_subcore>, window_params = [{transform_indices = #map}, {transform_indices = #map}, {transform_indices = #map}, {transform_indices = #map}]} {
    %mul3A = arith.constant 2 : i32
    %mul3A_0 = arith.muli %arg1, %mul3A : i32
    %add3A = arith.addi %mul3A_0, %arg0 : i32
    %mul3A_1 = arith.constant 4 : i32
    %mul3A_2 = arith.muli %add3A, %mul3A_1 : i32
    "tpu.region"() ({
      %run_scoped3A = tpu.sem_alloc : memref<!tpu.dma_semaphore, #tpu.memory_space<semaphore_mem>>
      %dma_start3A_217 = arith.constant 0 : i32
      %dma_start3A_218 = arith.constant 0 : i32
      %dma_start3A_219 = tpu.memref_slice %arg6[%dma_start3A_217, %dma_start3A_218] : memref<8x128xi32, #tpu.memory_space<vmem>> -> memref<4x128xi32, #tpu.memory_space<vmem>>
      %dma_start3A_220 = arith.constant 0 : i32
      %dma_start3A_221 = tpu.memref_slice %arg3[%mul3A_2, %dma_start3A_220] : memref<128x128xi32, #tpu.memory_space<hbm>> -> memref<4x128xi32, #tpu.memory_space<hbm>>
      %dma_start3A_222 = arith.constant 0 : i32
      %dma_start3A_223 = arith.constant 0 : i32
      %dma_start3A_224 = tpu.memref_slice %arg6[%dma_start3A_222, %dma_start3A_223] : memref<8x128xi32, #tpu.memory_space<vmem>> -> memref<4x128xi32, #tpu.memory_space<vmem>>
      %dma_start3A_225 = arith.constant 0 : i32
      %dma_start3A_226 = tpu.memref_slice %arg3[%mul3A_2, %dma_start3A_225] : memref<128x128xi32, #tpu.memory_space<hbm>> -> memref<4x128xi32, #tpu.memory_space<hbm>>
      tpu.enqueue_dma source(%dma_start3A_226 : memref<4x128xi32, #tpu.memory_space<hbm>>) target(%dma_start3A_224 : memref<4x128xi32, #tpu.memory_space<vmem>>) target_semaphore(%run_scoped3A : memref<!tpu.dma_semaphore, #tpu.memory_space<semaphore_mem>>)
      %dma_wait3A_227 = arith.constant 0 : i32
      %dma_wait3A_228 = arith.constant 0 : i32
      %dma_wait3A_229 = tpu.memref_slice %arg6[%dma_wait3A_227, %dma_wait3A_228] : memref<8x128xi32, #tpu.memory_space<vmem>> -> memref<4x128xi32, #tpu.memory_space<vmem>>
      %dma_wait3A_230 = arith.constant 0 : i32
      %dma_wait3A_231 = tpu.memref_slice %arg3[%mul3A_2, %dma_wait3A_230] : memref<128x128xi32, #tpu.memory_space<hbm>> -> memref<4x128xi32, #tpu.memory_space<hbm>>
      %dma_wait3A_232 = arith.constant 0 : i32
      %dma_wait3A_233 = arith.constant 0 : i32
      %dma_wait3A_234 = tpu.memref_slice %arg6[%dma_wait3A_232, %dma_wait3A_233] : memref<8x128xi32, #tpu.memory_space<vmem>> -> memref<4x128xi32, #tpu.memory_space<vmem>>
      %dma_wait3A_235 = arith.constant 0 : i32
      %dma_wait3A_236 = tpu.memref_slice %arg3[%mul3A_2, %dma_wait3A_235] : memref<128x128xi32, #tpu.memory_space<hbm>> -> memref<4x128xi32, #tpu.memory_space<hbm>>
      tpu.wait_dma2 semaphore(%run_scoped3A : memref<!tpu.dma_semaphore, #tpu.memory_space<semaphore_mem>>) src(%dma_wait3A_236 : memref<4x128xi32, #tpu.memory_space<hbm>>) dst(%dma_wait3A_234 : memref<4x128xi32, #tpu.memory_space<vmem>>)
      tpu.yield
    }) : () -> ()
    "tpu.region"() ({
      %run_scoped3A = tpu.sem_alloc : memref<!tpu.dma_semaphore, #tpu.memory_space<semaphore_mem>>
      %dma_start3A_217 = arith.constant 4 : i32
      %dma_start3A_218 = arith.constant 0 : i32
      %dma_start3A_219 = tpu.memref_slice %arg6[%dma_start3A_217, %dma_start3A_218] : memref<8x128xi32, #tpu.memory_space<vmem>> -> memref<4x128xi32, #tpu.memory_space<vmem>>
      %dma_start3A_220 = arith.constant 0 : i32
      %dma_start3A_221 = tpu.memref_slice %arg4[%mul3A_2, %dma_start3A_220] : memref<128x128xi32, #tpu.memory_space<hbm>> -> memref<4x128xi32, #tpu.memory_space<hbm>>
      %dma_start3A_222 = arith.constant 4 : i32
      %dma_start3A_223 = arith.constant 0 : i32
      %dma_start3A_224 = tpu.memref_slice %arg6[%dma_start3A_222, %dma_start3A_223] : memref<8x128xi32, #tpu.memory_space<vmem>> -> memref<4x128xi32, #tpu.memory_space<vmem>>
      %dma_start3A_225 = arith.constant 0 : i32
      %dma_start3A_226 = tpu.memref_slice %arg4[%mul3A_2, %dma_start3A_225] : memref<128x128xi32, #tpu.memory_space<hbm>> -> memref<4x128xi32, #tpu.memory_space<hbm>>
      tpu.enqueue_dma source(%dma_start3A_226 : memref<4x128xi32, #tpu.memory_space<hbm>>) target(%dma_start3A_224 : memref<4x128xi32, #tpu.memory_space<vmem>>) target_semaphore(%run_scoped3A : memref<!tpu.dma_semaphore, #tpu.memory_space<semaphore_mem>>)
      %dma_wait3A_227 = arith.constant 4 : i32
      %dma_wait3A_228 = arith.constant 0 : i32
      %dma_wait3A_229 = tpu.memref_slice %arg6[%dma_wait3A_227, %dma_wait3A_228] : memref<8x128xi32, #tpu.memory_space<vmem>> -> memref<4x128xi32, #tpu.memory_space<vmem>>
      %dma_wait3A_230 = arith.constant 0 : i32
      %dma_wait3A_231 = tpu.memref_slice %arg4[%mul3A_2, %dma_wait3A_230] : memref<128x128xi32, #tpu.memory_space<hbm>> -> memref<4x128xi32, #tpu.memory_space<hbm>>
      %dma_wait3A_232 = arith.constant 4 : i32
      %dma_wait3A_233 = arith.constant 0 : i32
      %dma_wait3A_234 = tpu.memref_slice %arg6[%dma_wait3A_232, %dma_wait3A_233] : memref<8x128xi32, #tpu.memory_space<vmem>> -> memref<4x128xi32, #tpu.memory_space<vmem>>
      %dma_wait3A_235 = arith.constant 0 : i32
      %dma_wait3A_236 = tpu.memref_slice %arg4[%mul3A_2, %dma_wait3A_235] : memref<128x128xi32, #tpu.memory_space<hbm>> -> memref<4x128xi32, #tpu.memory_space<hbm>>
      tpu.wait_dma2 semaphore(%run_scoped3A : memref<!tpu.dma_semaphore, #tpu.memory_space<semaphore_mem>>) src(%dma_wait3A_236 : memref<4x128xi32, #tpu.memory_space<hbm>>) dst(%dma_wait3A_234 : memref<4x128xi32, #tpu.memory_space<vmem>>)
      tpu.yield
    }) : () -> ()
    %dma_start3A = arith.constant 0 : i32
    %dma_start3A_3 = arith.constant 0 : i32
    %dma_start3A_4 = tpu.memref_slice %arg6[%dma_start3A, %dma_start3A_3] : memref<8x128xi32, #tpu.memory_space<vmem>> -> memref<1x128xi32, #tpu.memory_space<vmem>>
    %dma_start3A_5 = tpu.memref_squeeze %dma_start3A_4 : memref<1x128xi32, #tpu.memory_space<vmem>> -> memref<128xi32, #tpu.memory_space<vmem>>
    %dma_start3A_6 = arith.constant 0 : i32
    %dma_start3A_7 = arith.constant 0 : i32
    %dma_start3A_8 = tpu.memref_slice %arg2[%dma_start3A_6, %dma_start3A_7] : memref<100000x128xf32, #tpu.memory_space<hbm>> -> memref<100000x128xf32, #tpu.memory_space<hbm>>
    tpu.enqueue_indirect_dma source(%dma_start3A_8 : memref<100000x128xf32, #tpu.memory_space<hbm>>) target(%arg7 : memref<128x128xf32, #tpu.memory_space<vmem>>) offsets(%dma_start3A_5 : memref<128xi32, #tpu.memory_space<vmem>>) semaphore(%arg14 : memref<!tpu.dma_semaphore, #tpu.memory_space<semaphore_mem>>)
    %dma_start3A_9 = arith.constant 1 : i32
    %dma_start3A_10 = arith.constant 0 : i32
    %dma_start3A_11 = tpu.memref_slice %arg6[%dma_start3A_9, %dma_start3A_10] : memref<8x128xi32, #tpu.memory_space<vmem>> -> memref<1x128xi32, #tpu.memory_space<vmem>>
    %dma_start3A_12 = tpu.memref_squeeze %dma_start3A_11 : memref<1x128xi32, #tpu.memory_space<vmem>> -> memref<128xi32, #tpu.memory_space<vmem>>
    %dma_start3A_13 = arith.constant 0 : i32
    %dma_start3A_14 = arith.constant 0 : i32
    %dma_start3A_15 = tpu.memref_slice %arg2[%dma_start3A_13, %dma_start3A_14] : memref<100000x128xf32, #tpu.memory_space<hbm>> -> memref<100000x128xf32, #tpu.memory_space<hbm>>
    tpu.enqueue_indirect_dma source(%dma_start3A_15 : memref<100000x128xf32, #tpu.memory_space<hbm>>) target(%arg8 : memref<128x128xf32, #tpu.memory_space<vmem>>) offsets(%dma_start3A_12 : memref<128xi32, #tpu.memory_space<vmem>>) semaphore(%arg15 : memref<!tpu.dma_semaphore, #tpu.memory_space<semaphore_mem>>)
    %dma_start3A_16 = arith.constant 2 : i32
    %dma_start3A_17 = arith.constant 0 : i32
    %dma_start3A_18 = tpu.memref_slice %arg6[%dma_start3A_16, %dma_start3A_17] : memref<8x128xi32, #tpu.memory_space<vmem>> -> memref<1x128xi32, #tpu.memory_space<vmem>>
    %dma_start3A_19 = tpu.memref_squeeze %dma_start3A_18 : memref<1x128xi32, #tpu.memory_space<vmem>> -> memref<128xi32, #tpu.memory_space<vmem>>
    %dma_start3A_20 = arith.constant 0 : i32
    %dma_start3A_21 = arith.constant 0 : i32
    %dma_start3A_22 = tpu.memref_slice %arg2[%dma_start3A_20, %dma_start3A_21] : memref<100000x128xf32, #tpu.memory_space<hbm>> -> memref<100000x128xf32, #tpu.memory_space<hbm>>
    tpu.enqueue_indirect_dma source(%dma_start3A_22 : memref<100000x128xf32, #tpu.memory_space<hbm>>) target(%arg9 : memref<128x128xf32, #tpu.memory_space<vmem>>) offsets(%dma_start3A_19 : memref<128xi32, #tpu.memory_space<vmem>>) semaphore(%arg16 : memref<!tpu.dma_semaphore, #tpu.memory_space<semaphore_mem>>)
    %dma_start3A_23 = arith.constant 3 : i32
    %dma_start3A_24 = arith.constant 0 : i32
    %dma_start3A_25 = tpu.memref_slice %arg6[%dma_start3A_23, %dma_start3A_24] : memref<8x128xi32, #tpu.memory_space<vmem>> -> memref<1x128xi32, #tpu.memory_space<vmem>>
    %dma_start3A_26 = tpu.memref_squeeze %dma_start3A_25 : memref<1x128xi32, #tpu.memory_space<vmem>> -> memref<128xi32, #tpu.memory_space<vmem>>
    %dma_start3A_27 = arith.constant 0 : i32
    %dma_start3A_28 = arith.constant 0 : i32
    %dma_start3A_29 = tpu.memref_slice %arg2[%dma_start3A_27, %dma_start3A_28] : memref<100000x128xf32, #tpu.memory_space<hbm>> -> memref<100000x128xf32, #tpu.memory_space<hbm>>
    tpu.enqueue_indirect_dma source(%dma_start3A_29 : memref<100000x128xf32, #tpu.memory_space<hbm>>) target(%arg10 : memref<128x128xf32, #tpu.memory_space<vmem>>) offsets(%dma_start3A_26 : memref<128xi32, #tpu.memory_space<vmem>>) semaphore(%arg17 : memref<!tpu.dma_semaphore, #tpu.memory_space<semaphore_mem>>)
    %dma_start3A_30 = arith.constant 4 : i32
    %dma_start3A_31 = arith.constant 0 : i32
    %dma_start3A_32 = tpu.memref_slice %arg6[%dma_start3A_30, %dma_start3A_31] : memref<8x128xi32, #tpu.memory_space<vmem>> -> memref<1x128xi32, #tpu.memory_space<vmem>>
    %dma_start3A_33 = tpu.memref_squeeze %dma_start3A_32 : memref<1x128xi32, #tpu.memory_space<vmem>> -> memref<128xi32, #tpu.memory_space<vmem>>
    %dma_start3A_34 = arith.constant 0 : i32
    %dma_start3A_35 = arith.constant 0 : i32
    %dma_start3A_36 = tpu.memref_slice %arg2[%dma_start3A_34, %dma_start3A_35] : memref<100000x128xf32, #tpu.memory_space<hbm>> -> memref<100000x128xf32, #tpu.memory_space<hbm>>
    tpu.enqueue_indirect_dma source(%dma_start3A_36 : memref<100000x128xf32, #tpu.memory_space<hbm>>) target(%arg11 : memref<128x128xf32, #tpu.memory_space<vmem>>) offsets(%dma_start3A_33 : memref<128xi32, #tpu.memory_space<vmem>>) semaphore(%arg18 : memref<!tpu.dma_semaphore, #tpu.memory_space<semaphore_mem>>)
    %dma_start3A_37 = arith.constant 5 : i32
    %dma_start3A_38 = arith.constant 0 : i32
    %dma_start3A_39 = tpu.memref_slice %arg6[%dma_start3A_37, %dma_start3A_38] : memref<8x128xi32, #tpu.memory_space<vmem>> -> memref<1x128xi32, #tpu.memory_space<vmem>>
    %dma_start3A_40 = tpu.memref_squeeze %dma_start3A_39 : memref<1x128xi32, #tpu.memory_space<vmem>> -> memref<128xi32, #tpu.memory_space<vmem>>
    %dma_start3A_41 = arith.constant 0 : i32
    %dma_start3A_42 = arith.constant 0 : i32
    %dma_start3A_43 = tpu.memref_slice %arg2[%dma_start3A_41, %dma_start3A_42] : memref<100000x128xf32, #tpu.memory_space<hbm>> -> memref<100000x128xf32, #tpu.memory_space<hbm>>
    tpu.enqueue_indirect_dma source(%dma_start3A_43 : memref<100000x128xf32, #tpu.memory_space<hbm>>) target(%arg12 : memref<128x128xf32, #tpu.memory_space<vmem>>) offsets(%dma_start3A_40 : memref<128xi32, #tpu.memory_space<vmem>>) semaphore(%arg19 : memref<!tpu.dma_semaphore, #tpu.memory_space<semaphore_mem>>)
    %dma_start3A_44 = arith.constant 6 : i32
    %dma_start3A_45 = arith.constant 0 : i32
    %dma_start3A_46 = tpu.memref_slice %arg6[%dma_start3A_44, %dma_start3A_45] : memref<8x128xi32, #tpu.memory_space<vmem>> -> memref<1x128xi32, #tpu.memory_space<vmem>>
    %dma_start3A_47 = tpu.memref_squeeze %dma_start3A_46 : memref<1x128xi32, #tpu.memory_space<vmem>> -> memref<128xi32, #tpu.memory_space<vmem>>
    %dma_start3A_48 = arith.constant 0 : i32
    %dma_start3A_49 = arith.constant 0 : i32
    %dma_start3A_50 = tpu.memref_slice %arg2[%dma_start3A_48, %dma_start3A_49] : memref<100000x128xf32, #tpu.memory_space<hbm>> -> memref<100000x128xf32, #tpu.memory_space<hbm>>
    tpu.enqueue_indirect_dma source(%dma_start3A_50 : memref<100000x128xf32, #tpu.memory_space<hbm>>) target(%arg13 : memref<128x128xf32, #tpu.memory_space<vmem>>) offsets(%dma_start3A_47 : memref<128xi32, #tpu.memory_space<vmem>>) semaphore(%arg20 : memref<!tpu.dma_semaphore, #tpu.memory_space<semaphore_mem>>)
    %add3A_51 = arith.constant 0 : i32
    %add3A_52 = arith.addi %mul3A_2, %add3A_51 : i32
    %dma_wait3A = arith.constant 0 : i32
    %dma_wait3A_53 = arith.constant 0 : i32
    %dma_wait3A_54 = tpu.memref_slice %arg6[%dma_wait3A, %dma_wait3A_53] : memref<8x128xi32, #tpu.memory_space<vmem>> -> memref<1x128xi32, #tpu.memory_space<vmem>>
    %dma_wait3A_55 = tpu.memref_squeeze %dma_wait3A_54 : memref<1x128xi32, #tpu.memory_space<vmem>> -> memref<128xi32, #tpu.memory_space<vmem>>
    %dma_wait3A_56 = arith.constant 0 : i32
    %dma_wait3A_57 = arith.constant 0 : i32
    %dma_wait3A_58 = tpu.memref_slice %arg2[%dma_wait3A_56, %dma_wait3A_57] : memref<100000x128xf32, #tpu.memory_space<hbm>> -> memref<100000x128xf32, #tpu.memory_space<hbm>>
    tpu.wait_indirect_dma semaphore(%arg14 : memref<!tpu.dma_semaphore, #tpu.memory_space<semaphore_mem>>) src(%dma_wait3A_58 : memref<100000x128xf32, #tpu.memory_space<hbm>>) dst(%arg7 : memref<128x128xf32, #tpu.memory_space<vmem>>)
    %mul3A_59 = arith.constant 128 : i32
    %mul3A_60 = arith.muli %add3A_52, %mul3A_59 : i32
    %dma_start3A_61 = arith.constant 0 : i32
    %dma_start3A_62 = tpu.memref_slice %arg5[%mul3A_60, %dma_start3A_61] : memref<32768x128xf32, #tpu.memory_space<hbm>> -> memref<128x128xf32, #tpu.memory_space<hbm>>
    %dma_start3A_63 = arith.constant 0 : i32
    %dma_start3A_64 = tpu.memref_slice %arg5[%mul3A_60, %dma_start3A_63] : memref<32768x128xf32, #tpu.memory_space<hbm>> -> memref<128x128xf32, #tpu.memory_space<hbm>>
    tpu.enqueue_dma source(%arg7 : memref<128x128xf32, #tpu.memory_space<vmem>>) target(%dma_start3A_64 : memref<128x128xf32, #tpu.memory_space<hbm>>) target_semaphore(%arg21 : memref<!tpu.dma_semaphore, #tpu.memory_space<semaphore_mem>>)
    %dma_wait3A_65 = arith.constant 0 : i32
    %dma_wait3A_66 = tpu.memref_slice %arg5[%mul3A_60, %dma_wait3A_65] : memref<32768x128xf32, #tpu.memory_space<hbm>> -> memref<128x128xf32, #tpu.memory_space<hbm>>
    %dma_wait3A_67 = arith.constant 0 : i32
    %dma_wait3A_68 = tpu.memref_slice %arg5[%mul3A_60, %dma_wait3A_67] : memref<32768x128xf32, #tpu.memory_space<hbm>> -> memref<128x128xf32, #tpu.memory_space<hbm>>
    tpu.wait_dma2 semaphore(%arg21 : memref<!tpu.dma_semaphore, #tpu.memory_space<semaphore_mem>>) src(%arg7 : memref<128x128xf32, #tpu.memory_space<vmem>>) dst(%dma_wait3A_68 : memref<128x128xf32, #tpu.memory_space<hbm>>)
    %dma_start3A_69 = arith.constant 7 : i32
    %dma_start3A_70 = arith.constant 0 : i32
    %dma_start3A_71 = tpu.memref_slice %arg6[%dma_start3A_69, %dma_start3A_70] : memref<8x128xi32, #tpu.memory_space<vmem>> -> memref<1x128xi32, #tpu.memory_space<vmem>>
    %dma_start3A_72 = tpu.memref_squeeze %dma_start3A_71 : memref<1x128xi32, #tpu.memory_space<vmem>> -> memref<128xi32, #tpu.memory_space<vmem>>
    %dma_start3A_73 = arith.constant 0 : i32
    %dma_start3A_74 = arith.constant 0 : i32
    %dma_start3A_75 = tpu.memref_slice %arg2[%dma_start3A_73, %dma_start3A_74] : memref<100000x128xf32, #tpu.memory_space<hbm>> -> memref<100000x128xf32, #tpu.memory_space<hbm>>
    tpu.enqueue_indirect_dma source(%dma_start3A_75 : memref<100000x128xf32, #tpu.memory_space<hbm>>) target(%arg7 : memref<128x128xf32, #tpu.memory_space<vmem>>) offsets(%dma_start3A_72 : memref<128xi32, #tpu.memory_space<vmem>>) semaphore(%arg14 : memref<!tpu.dma_semaphore, #tpu.memory_space<semaphore_mem>>)
    %add3A_76 = arith.constant 1 : i32
    %add3A_77 = arith.addi %mul3A_2, %add3A_76 : i32
    %dma_wait3A_78 = arith.constant 1 : i32
    %dma_wait3A_79 = arith.constant 0 : i32
    %dma_wait3A_80 = tpu.memref_slice %arg6[%dma_wait3A_78, %dma_wait3A_79] : memref<8x128xi32, #tpu.memory_space<vmem>> -> memref<1x128xi32, #tpu.memory_space<vmem>>
    %dma_wait3A_81 = tpu.memref_squeeze %dma_wait3A_80 : memref<1x128xi32, #tpu.memory_space<vmem>> -> memref<128xi32, #tpu.memory_space<vmem>>
    %dma_wait3A_82 = arith.constant 0 : i32
    %dma_wait3A_83 = arith.constant 0 : i32
    %dma_wait3A_84 = tpu.memref_slice %arg2[%dma_wait3A_82, %dma_wait3A_83] : memref<100000x128xf32, #tpu.memory_space<hbm>> -> memref<100000x128xf32, #tpu.memory_space<hbm>>
    tpu.wait_indirect_dma semaphore(%arg15 : memref<!tpu.dma_semaphore, #tpu.memory_space<semaphore_mem>>) src(%dma_wait3A_84 : memref<100000x128xf32, #tpu.memory_space<hbm>>) dst(%arg8 : memref<128x128xf32, #tpu.memory_space<vmem>>)
    %mul3A_85 = arith.constant 128 : i32
    %mul3A_86 = arith.muli %add3A_77, %mul3A_85 : i32
    %dma_start3A_87 = arith.constant 0 : i32
    %dma_start3A_88 = tpu.memref_slice %arg5[%mul3A_86, %dma_start3A_87] : memref<32768x128xf32, #tpu.memory_space<hbm>> -> memref<128x128xf32, #tpu.memory_space<hbm>>
    %dma_start3A_89 = arith.constant 0 : i32
    %dma_start3A_90 = tpu.memref_slice %arg5[%mul3A_86, %dma_start3A_89] : memref<32768x128xf32, #tpu.memory_space<hbm>> -> memref<128x128xf32, #tpu.memory_space<hbm>>
    tpu.enqueue_dma source(%arg8 : memref<128x128xf32, #tpu.memory_space<vmem>>) target(%dma_start3A_90 : memref<128x128xf32, #tpu.memory_space<hbm>>) target_semaphore(%arg22 : memref<!tpu.dma_semaphore, #tpu.memory_space<semaphore_mem>>)
    %add3A_91 = arith.constant 2 : i32
    %add3A_92 = arith.addi %mul3A_2, %add3A_91 : i32
    %dma_wait3A_93 = arith.constant 2 : i32
    %dma_wait3A_94 = arith.constant 0 : i32
    %dma_wait3A_95 = tpu.memref_slice %arg6[%dma_wait3A_93, %dma_wait3A_94] : memref<8x128xi32, #tpu.memory_space<vmem>> -> memref<1x128xi32, #tpu.memory_space<vmem>>
    %dma_wait3A_96 = tpu.memref_squeeze %dma_wait3A_95 : memref<1x128xi32, #tpu.memory_space<vmem>> -> memref<128xi32, #tpu.memory_space<vmem>>
    %dma_wait3A_97 = arith.constant 0 : i32
    %dma_wait3A_98 = arith.constant 0 : i32
    %dma_wait3A_99 = tpu.memref_slice %arg2[%dma_wait3A_97, %dma_wait3A_98] : memref<100000x128xf32, #tpu.memory_space<hbm>> -> memref<100000x128xf32, #tpu.memory_space<hbm>>
    tpu.wait_indirect_dma semaphore(%arg16 : memref<!tpu.dma_semaphore, #tpu.memory_space<semaphore_mem>>) src(%dma_wait3A_99 : memref<100000x128xf32, #tpu.memory_space<hbm>>) dst(%arg9 : memref<128x128xf32, #tpu.memory_space<vmem>>)
    %mul3A_100 = arith.constant 128 : i32
    %mul3A_101 = arith.muli %add3A_92, %mul3A_100 : i32
    %dma_start3A_102 = arith.constant 0 : i32
    %dma_start3A_103 = tpu.memref_slice %arg5[%mul3A_101, %dma_start3A_102] : memref<32768x128xf32, #tpu.memory_space<hbm>> -> memref<128x128xf32, #tpu.memory_space<hbm>>
    %dma_start3A_104 = arith.constant 0 : i32
    %dma_start3A_105 = tpu.memref_slice %arg5[%mul3A_101, %dma_start3A_104] : memref<32768x128xf32, #tpu.memory_space<hbm>> -> memref<128x128xf32, #tpu.memory_space<hbm>>
    tpu.enqueue_dma source(%arg9 : memref<128x128xf32, #tpu.memory_space<vmem>>) target(%dma_start3A_105 : memref<128x128xf32, #tpu.memory_space<hbm>>) target_semaphore(%arg23 : memref<!tpu.dma_semaphore, #tpu.memory_space<semaphore_mem>>)
    %add3A_106 = arith.constant 3 : i32
    %add3A_107 = arith.addi %mul3A_2, %add3A_106 : i32
    %dma_wait3A_108 = arith.constant 3 : i32
    %dma_wait3A_109 = arith.constant 0 : i32
    %dma_wait3A_110 = tpu.memref_slice %arg6[%dma_wait3A_108, %dma_wait3A_109] : memref<8x128xi32, #tpu.memory_space<vmem>> -> memref<1x128xi32, #tpu.memory_space<vmem>>
    %dma_wait3A_111 = tpu.memref_squeeze %dma_wait3A_110 : memref<1x128xi32, #tpu.memory_space<vmem>> -> memref<128xi32, #tpu.memory_space<vmem>>
    %dma_wait3A_112 = arith.constant 0 : i32
    %dma_wait3A_113 = arith.constant 0 : i32
    %dma_wait3A_114 = tpu.memref_slice %arg2[%dma_wait3A_112, %dma_wait3A_113] : memref<100000x128xf32, #tpu.memory_space<hbm>> -> memref<100000x128xf32, #tpu.memory_space<hbm>>
    tpu.wait_indirect_dma semaphore(%arg17 : memref<!tpu.dma_semaphore, #tpu.memory_space<semaphore_mem>>) src(%dma_wait3A_114 : memref<100000x128xf32, #tpu.memory_space<hbm>>) dst(%arg10 : memref<128x128xf32, #tpu.memory_space<vmem>>)
    %mul3A_115 = arith.constant 128 : i32
    %mul3A_116 = arith.muli %add3A_107, %mul3A_115 : i32
    %dma_start3A_117 = arith.constant 0 : i32
    %dma_start3A_118 = tpu.memref_slice %arg5[%mul3A_116, %dma_start3A_117] : memref<32768x128xf32, #tpu.memory_space<hbm>> -> memref<128x128xf32, #tpu.memory_space<hbm>>
    %dma_start3A_119 = arith.constant 0 : i32
    %dma_start3A_120 = tpu.memref_slice %arg5[%mul3A_116, %dma_start3A_119] : memref<32768x128xf32, #tpu.memory_space<hbm>> -> memref<128x128xf32, #tpu.memory_space<hbm>>
    tpu.enqueue_dma source(%arg10 : memref<128x128xf32, #tpu.memory_space<vmem>>) target(%dma_start3A_120 : memref<128x128xf32, #tpu.memory_space<hbm>>) target_semaphore(%arg24 : memref<!tpu.dma_semaphore, #tpu.memory_space<semaphore_mem>>)
    %add3A_121 = arith.constant 128 : i32
    %add3A_122 = arith.addi %add3A_121, %mul3A_2 : i32
    %add3A_123 = arith.constant 0 : i32
    %add3A_124 = arith.addi %add3A_122, %add3A_123 : i32
    %dma_wait3A_125 = arith.constant 4 : i32
    %dma_wait3A_126 = arith.constant 0 : i32
    %dma_wait3A_127 = tpu.memref_slice %arg6[%dma_wait3A_125, %dma_wait3A_126] : memref<8x128xi32, #tpu.memory_space<vmem>> -> memref<1x128xi32, #tpu.memory_space<vmem>>
    %dma_wait3A_128 = tpu.memref_squeeze %dma_wait3A_127 : memref<1x128xi32, #tpu.memory_space<vmem>> -> memref<128xi32, #tpu.memory_space<vmem>>
    %dma_wait3A_129 = arith.constant 0 : i32
    %dma_wait3A_130 = arith.constant 0 : i32
    %dma_wait3A_131 = tpu.memref_slice %arg2[%dma_wait3A_129, %dma_wait3A_130] : memref<100000x128xf32, #tpu.memory_space<hbm>> -> memref<100000x128xf32, #tpu.memory_space<hbm>>
    tpu.wait_indirect_dma semaphore(%arg18 : memref<!tpu.dma_semaphore, #tpu.memory_space<semaphore_mem>>) src(%dma_wait3A_131 : memref<100000x128xf32, #tpu.memory_space<hbm>>) dst(%arg11 : memref<128x128xf32, #tpu.memory_space<vmem>>)
    %mul3A_132 = arith.constant 128 : i32
    %mul3A_133 = arith.muli %add3A_124, %mul3A_132 : i32
    %dma_start3A_134 = arith.constant 0 : i32
    %dma_start3A_135 = tpu.memref_slice %arg5[%mul3A_133, %dma_start3A_134] : memref<32768x128xf32, #tpu.memory_space<hbm>> -> memref<128x128xf32, #tpu.memory_space<hbm>>
    %dma_start3A_136 = arith.constant 0 : i32
    %dma_start3A_137 = tpu.memref_slice %arg5[%mul3A_133, %dma_start3A_136] : memref<32768x128xf32, #tpu.memory_space<hbm>> -> memref<128x128xf32, #tpu.memory_space<hbm>>
    tpu.enqueue_dma source(%arg11 : memref<128x128xf32, #tpu.memory_space<vmem>>) target(%dma_start3A_137 : memref<128x128xf32, #tpu.memory_space<hbm>>) target_semaphore(%arg25 : memref<!tpu.dma_semaphore, #tpu.memory_space<semaphore_mem>>)
    %add3A_138 = arith.constant 128 : i32
    %add3A_139 = arith.addi %add3A_138, %mul3A_2 : i32
    %add3A_140 = arith.constant 1 : i32
    %add3A_141 = arith.addi %add3A_139, %add3A_140 : i32
    %dma_wait3A_142 = arith.constant 5 : i32
    %dma_wait3A_143 = arith.constant 0 : i32
    %dma_wait3A_144 = tpu.memref_slice %arg6[%dma_wait3A_142, %dma_wait3A_143] : memref<8x128xi32, #tpu.memory_space<vmem>> -> memref<1x128xi32, #tpu.memory_space<vmem>>
    %dma_wait3A_145 = tpu.memref_squeeze %dma_wait3A_144 : memref<1x128xi32, #tpu.memory_space<vmem>> -> memref<128xi32, #tpu.memory_space<vmem>>
    %dma_wait3A_146 = arith.constant 0 : i32
    %dma_wait3A_147 = arith.constant 0 : i32
    %dma_wait3A_148 = tpu.memref_slice %arg2[%dma_wait3A_146, %dma_wait3A_147] : memref<100000x128xf32, #tpu.memory_space<hbm>> -> memref<100000x128xf32, #tpu.memory_space<hbm>>
    tpu.wait_indirect_dma semaphore(%arg19 : memref<!tpu.dma_semaphore, #tpu.memory_space<semaphore_mem>>) src(%dma_wait3A_148 : memref<100000x128xf32, #tpu.memory_space<hbm>>) dst(%arg12 : memref<128x128xf32, #tpu.memory_space<vmem>>)
    %mul3A_149 = arith.constant 128 : i32
    %mul3A_150 = arith.muli %add3A_141, %mul3A_149 : i32
    %dma_start3A_151 = arith.constant 0 : i32
    %dma_start3A_152 = tpu.memref_slice %arg5[%mul3A_150, %dma_start3A_151] : memref<32768x128xf32, #tpu.memory_space<hbm>> -> memref<128x128xf32, #tpu.memory_space<hbm>>
    %dma_start3A_153 = arith.constant 0 : i32
    %dma_start3A_154 = tpu.memref_slice %arg5[%mul3A_150, %dma_start3A_153] : memref<32768x128xf32, #tpu.memory_space<hbm>> -> memref<128x128xf32, #tpu.memory_space<hbm>>
    tpu.enqueue_dma source(%arg12 : memref<128x128xf32, #tpu.memory_space<vmem>>) target(%dma_start3A_154 : memref<128x128xf32, #tpu.memory_space<hbm>>) target_semaphore(%arg26 : memref<!tpu.dma_semaphore, #tpu.memory_space<semaphore_mem>>)
    %add3A_155 = arith.constant 128 : i32
    %add3A_156 = arith.addi %add3A_155, %mul3A_2 : i32
    %add3A_157 = arith.constant 2 : i32
    %add3A_158 = arith.addi %add3A_156, %add3A_157 : i32
    %dma_wait3A_159 = arith.constant 6 : i32
    %dma_wait3A_160 = arith.constant 0 : i32
    %dma_wait3A_161 = tpu.memref_slice %arg6[%dma_wait3A_159, %dma_wait3A_160] : memref<8x128xi32, #tpu.memory_space<vmem>> -> memref<1x128xi32, #tpu.memory_space<vmem>>
    %dma_wait3A_162 = tpu.memref_squeeze %dma_wait3A_161 : memref<1x128xi32, #tpu.memory_space<vmem>> -> memref<128xi32, #tpu.memory_space<vmem>>
    %dma_wait3A_163 = arith.constant 0 : i32
    %dma_wait3A_164 = arith.constant 0 : i32
    %dma_wait3A_165 = tpu.memref_slice %arg2[%dma_wait3A_163, %dma_wait3A_164] : memref<100000x128xf32, #tpu.memory_space<hbm>> -> memref<100000x128xf32, #tpu.memory_space<hbm>>
    tpu.wait_indirect_dma semaphore(%arg20 : memref<!tpu.dma_semaphore, #tpu.memory_space<semaphore_mem>>) src(%dma_wait3A_165 : memref<100000x128xf32, #tpu.memory_space<hbm>>) dst(%arg13 : memref<128x128xf32, #tpu.memory_space<vmem>>)
    %mul3A_166 = arith.constant 128 : i32
    %mul3A_167 = arith.muli %add3A_158, %mul3A_166 : i32
    %dma_start3A_168 = arith.constant 0 : i32
    %dma_start3A_169 = tpu.memref_slice %arg5[%mul3A_167, %dma_start3A_168] : memref<32768x128xf32, #tpu.memory_space<hbm>> -> memref<128x128xf32, #tpu.memory_space<hbm>>
    %dma_start3A_170 = arith.constant 0 : i32
    %dma_start3A_171 = tpu.memref_slice %arg5[%mul3A_167, %dma_start3A_170] : memref<32768x128xf32, #tpu.memory_space<hbm>> -> memref<128x128xf32, #tpu.memory_space<hbm>>
    tpu.enqueue_dma source(%arg13 : memref<128x128xf32, #tpu.memory_space<vmem>>) target(%dma_start3A_171 : memref<128x128xf32, #tpu.memory_space<hbm>>) target_semaphore(%arg27 : memref<!tpu.dma_semaphore, #tpu.memory_space<semaphore_mem>>)
    %add3A_172 = arith.constant 128 : i32
    %add3A_173 = arith.addi %add3A_172, %mul3A_2 : i32
    %add3A_174 = arith.constant 3 : i32
    %add3A_175 = arith.addi %add3A_173, %add3A_174 : i32
    %dma_wait3A_176 = arith.constant 7 : i32
    %dma_wait3A_177 = arith.constant 0 : i32
    %dma_wait3A_178 = tpu.memref_slice %arg6[%dma_wait3A_176, %dma_wait3A_177] : memref<8x128xi32, #tpu.memory_space<vmem>> -> memref<1x128xi32, #tpu.memory_space<vmem>>
    %dma_wait3A_179 = tpu.memref_squeeze %dma_wait3A_178 : memref<1x128xi32, #tpu.memory_space<vmem>> -> memref<128xi32, #tpu.memory_space<vmem>>
    %dma_wait3A_180 = arith.constant 0 : i32
    %dma_wait3A_181 = arith.constant 0 : i32
    %dma_wait3A_182 = tpu.memref_slice %arg2[%dma_wait3A_180, %dma_wait3A_181] : memref<100000x128xf32, #tpu.memory_space<hbm>> -> memref<100000x128xf32, #tpu.memory_space<hbm>>
    tpu.wait_indirect_dma semaphore(%arg14 : memref<!tpu.dma_semaphore, #tpu.memory_space<semaphore_mem>>) src(%dma_wait3A_182 : memref<100000x128xf32, #tpu.memory_space<hbm>>) dst(%arg7 : memref<128x128xf32, #tpu.memory_space<vmem>>)
    %mul3A_183 = arith.constant 128 : i32
    %mul3A_184 = arith.muli %add3A_175, %mul3A_183 : i32
    %dma_start3A_185 = arith.constant 0 : i32
    %dma_start3A_186 = tpu.memref_slice %arg5[%mul3A_184, %dma_start3A_185] : memref<32768x128xf32, #tpu.memory_space<hbm>> -> memref<128x128xf32, #tpu.memory_space<hbm>>
    %dma_start3A_187 = arith.constant 0 : i32
    %dma_start3A_188 = tpu.memref_slice %arg5[%mul3A_184, %dma_start3A_187] : memref<32768x128xf32, #tpu.memory_space<hbm>> -> memref<128x128xf32, #tpu.memory_space<hbm>>
    tpu.enqueue_dma source(%arg7 : memref<128x128xf32, #tpu.memory_space<vmem>>) target(%dma_start3A_188 : memref<128x128xf32, #tpu.memory_space<hbm>>) target_semaphore(%arg21 : memref<!tpu.dma_semaphore, #tpu.memory_space<semaphore_mem>>)
    %dma_wait3A_189 = arith.constant 0 : i32
    %dma_wait3A_190 = tpu.memref_slice %arg5[%mul3A_86, %dma_wait3A_189] : memref<32768x128xf32, #tpu.memory_space<hbm>> -> memref<128x128xf32, #tpu.memory_space<hbm>>
    %dma_wait3A_191 = arith.constant 0 : i32
    %dma_wait3A_192 = tpu.memref_slice %arg5[%mul3A_86, %dma_wait3A_191] : memref<32768x128xf32, #tpu.memory_space<hbm>> -> memref<128x128xf32, #tpu.memory_space<hbm>>
    tpu.wait_dma2 semaphore(%arg22 : memref<!tpu.dma_semaphore, #tpu.memory_space<semaphore_mem>>) src(%arg8 : memref<128x128xf32, #tpu.memory_space<vmem>>) dst(%dma_wait3A_192 : memref<128x128xf32, #tpu.memory_space<hbm>>)
    %dma_wait3A_193 = arith.constant 0 : i32
    %dma_wait3A_194 = tpu.memref_slice %arg5[%mul3A_101, %dma_wait3A_193] : memref<32768x128xf32, #tpu.memory_space<hbm>> -> memref<128x128xf32, #tpu.memory_space<hbm>>
    %dma_wait3A_195 = arith.constant 0 : i32
    %dma_wait3A_196 = tpu.memref_slice %arg5[%mul3A_101, %dma_wait3A_195] : memref<32768x128xf32, #tpu.memory_space<hbm>> -> memref<128x128xf32, #tpu.memory_space<hbm>>
    tpu.wait_dma2 semaphore(%arg23 : memref<!tpu.dma_semaphore, #tpu.memory_space<semaphore_mem>>) src(%arg9 : memref<128x128xf32, #tpu.memory_space<vmem>>) dst(%dma_wait3A_196 : memref<128x128xf32, #tpu.memory_space<hbm>>)
    %dma_wait3A_197 = arith.constant 0 : i32
    %dma_wait3A_198 = tpu.memref_slice %arg5[%mul3A_116, %dma_wait3A_197] : memref<32768x128xf32, #tpu.memory_space<hbm>> -> memref<128x128xf32, #tpu.memory_space<hbm>>
    %dma_wait3A_199 = arith.constant 0 : i32
    %dma_wait3A_200 = tpu.memref_slice %arg5[%mul3A_116, %dma_wait3A_199] : memref<32768x128xf32, #tpu.memory_space<hbm>> -> memref<128x128xf32, #tpu.memory_space<hbm>>
    tpu.wait_dma2 semaphore(%arg24 : memref<!tpu.dma_semaphore, #tpu.memory_space<semaphore_mem>>) src(%arg10 : memref<128x128xf32, #tpu.memory_space<vmem>>) dst(%dma_wait3A_200 : memref<128x128xf32, #tpu.memory_space<hbm>>)
    %dma_wait3A_201 = arith.constant 0 : i32
    %dma_wait3A_202 = tpu.memref_slice %arg5[%mul3A_133, %dma_wait3A_201] : memref<32768x128xf32, #tpu.memory_space<hbm>> -> memref<128x128xf32, #tpu.memory_space<hbm>>
    %dma_wait3A_203 = arith.constant 0 : i32
    %dma_wait3A_204 = tpu.memref_slice %arg5[%mul3A_133, %dma_wait3A_203] : memref<32768x128xf32, #tpu.memory_space<hbm>> -> memref<128x128xf32, #tpu.memory_space<hbm>>
    tpu.wait_dma2 semaphore(%arg25 : memref<!tpu.dma_semaphore, #tpu.memory_space<semaphore_mem>>) src(%arg11 : memref<128x128xf32, #tpu.memory_space<vmem>>) dst(%dma_wait3A_204 : memref<128x128xf32, #tpu.memory_space<hbm>>)
    %dma_wait3A_205 = arith.constant 0 : i32
    %dma_wait3A_206 = tpu.memref_slice %arg5[%mul3A_150, %dma_wait3A_205] : memref<32768x128xf32, #tpu.memory_space<hbm>> -> memref<128x128xf32, #tpu.memory_space<hbm>>
    %dma_wait3A_207 = arith.constant 0 : i32
    %dma_wait3A_208 = tpu.memref_slice %arg5[%mul3A_150, %dma_wait3A_207] : memref<32768x128xf32, #tpu.memory_space<hbm>> -> memref<128x128xf32, #tpu.memory_space<hbm>>
    tpu.wait_dma2 semaphore(%arg26 : memref<!tpu.dma_semaphore, #tpu.memory_space<semaphore_mem>>) src(%arg12 : memref<128x128xf32, #tpu.memory_space<vmem>>) dst(%dma_wait3A_208 : memref<128x128xf32, #tpu.memory_space<hbm>>)
    %dma_wait3A_209 = arith.constant 0 : i32
    %dma_wait3A_210 = tpu.memref_slice %arg5[%mul3A_167, %dma_wait3A_209] : memref<32768x128xf32, #tpu.memory_space<hbm>> -> memref<128x128xf32, #tpu.memory_space<hbm>>
    %dma_wait3A_211 = arith.constant 0 : i32
    %dma_wait3A_212 = tpu.memref_slice %arg5[%mul3A_167, %dma_wait3A_211] : memref<32768x128xf32, #tpu.memory_space<hbm>> -> memref<128x128xf32, #tpu.memory_space<hbm>>
    tpu.wait_dma2 semaphore(%arg27 : memref<!tpu.dma_semaphore, #tpu.memory_space<semaphore_mem>>) src(%arg13 : memref<128x128xf32, #tpu.memory_space<vmem>>) dst(%dma_wait3A_212 : memref<128x128xf32, #tpu.memory_space<hbm>>)
    %dma_wait3A_213 = arith.constant 0 : i32
    %dma_wait3A_214 = tpu.memref_slice %arg5[%mul3A_184, %dma_wait3A_213] : memref<32768x128xf32, #tpu.memory_space<hbm>> -> memref<128x128xf32, #tpu.memory_space<hbm>>
    %dma_wait3A_215 = arith.constant 0 : i32
    %dma_wait3A_216 = tpu.memref_slice %arg5[%mul3A_184, %dma_wait3A_215] : memref<32768x128xf32, #tpu.memory_space<hbm>> -> memref<128x128xf32, #tpu.memory_space<hbm>>
    tpu.wait_dma2 semaphore(%arg21 : memref<!tpu.dma_semaphore, #tpu.memory_space<semaphore_mem>>) src(%arg7 : memref<128x128xf32, #tpu.memory_space<vmem>>) dst(%dma_wait3A_216 : memref<128x128xf32, #tpu.memory_space<hbm>>)
    return
  }
}

module attributes {stable_mosaic.version = 14 : i64} {
  func.func @_mlp_body(%arg0: i32, %arg1: memref<2x4096x128xf32, #tpu.memory_space<vmem>>, %arg2: memref<128x1024xbf16, #tpu.memory_space<vmem>>, %arg3: memref<128x1024xbf16, #tpu.memory_space<vmem>>, %arg4: memref<1x1024xbf16, #tpu.memory_space<vmem>>, %arg5: memref<1024x128xbf16, #tpu.memory_space<vmem>>, %arg6: memref<1x128xf32, #tpu.memory_space<vmem>>, %arg7: memref<4096x128xf32, #tpu.memory_space<vmem>>) attributes {dimension_semantics = [#tpu.dimension_semantics<arbitrary>], iteration_bounds = array<i64: 4>, scalar_prefetch = 0 : i64, scratch_operands = 0 : i64, tpu.core_type = #tpu.core_type<tc>, window_params = [{transform_indices = @transform_0, window_bounds = array<i64: 2, 4096, 128>}, {pipeline_mode = #tpu.pipeline_mode<synchronous>, transform_indices = @transform_1, window_bounds = array<i64: 128, 1024>}, {pipeline_mode = #tpu.pipeline_mode<synchronous>, transform_indices = @transform_2, window_bounds = array<i64: 128, 1024>}, {pipeline_mode = #tpu.pipeline_mode<synchronous>, transform_indices = @transform_3, window_bounds = array<i64: 1, 1024>}, {pipeline_mode = #tpu.pipeline_mode<synchronous>, transform_indices = @transform_4, window_bounds = array<i64: 1024, 128>}, {pipeline_mode = #tpu.pipeline_mode<synchronous>, transform_indices = @transform_5, window_bounds = array<i64: 1, 128>}, {transform_indices = @transform_6, window_bounds = array<i64: 4096, 128>}]} {
    %get3A = arith.constant 0 : index
    %get3A_0 = arith.constant 0 : index
    %get3A_1 = arith.constant 0 : index
    %get3A_2 = vector.load %arg1[%get3A, %get3A_0, %get3A_1] : memref<2x4096x128xf32, #tpu.memory_space<vmem>>, vector<1x4096x128xf32>
    %get3A_3 = vector.shape_cast %get3A_2 : vector<1x4096x128xf32> to vector<4096x128xf32>
    %convert_element_type3A = arith.truncf %get3A_3 : vector<4096x128xf32> to vector<4096x128xbf16>
    %get3A_4 = arith.constant 1 : index
    %get3A_5 = arith.constant 0 : index
    %get3A_6 = arith.constant 0 : index
    %get3A_7 = vector.load %arg1[%get3A_4, %get3A_5, %get3A_6] : memref<2x4096x128xf32, #tpu.memory_space<vmem>>, vector<1x4096x128xf32>
    %get3A_8 = vector.shape_cast %get3A_7 : vector<1x4096x128xf32> to vector<4096x128xf32>
    %convert_element_type3A_9 = arith.truncf %get3A_8 : vector<4096x128xf32> to vector<4096x128xbf16>
    %get3A_10 = arith.constant 0 : index
    %get3A_11 = arith.constant 0 : index
    %get3A_12 = vector.load %arg2[%get3A_10, %get3A_11] : memref<128x1024xbf16, #tpu.memory_space<vmem>>, vector<128x1024xbf16>
    %dot_general3A = arith.constant dense<0.000000e+00> : vector<4096x1024xf32>
    %dot_general3A_13 = tpu.matmul %convert_element_type3A, %get3A_12, %dot_general3A {dimension_numbers = #tpu.dot_dimension_numbers<[1], [0], [0], [1], [0, 0, 1, 1], [], []>, transpose_lhs_hint = false} : vector<4096x128xbf16>, vector<128x1024xbf16>, vector<4096x1024xf32> -> vector<4096x1024xf32>
    %get3A_14 = arith.constant 0 : index
    %get3A_15 = arith.constant 0 : index
    %get3A_16 = vector.load %arg3[%get3A_14, %get3A_15] : memref<128x1024xbf16, #tpu.memory_space<vmem>>, vector<128x1024xbf16>
    %dot_general3A_17 = arith.constant dense<0.000000e+00> : vector<4096x1024xf32>
    %dot_general3A_18 = tpu.matmul %convert_element_type3A_9, %get3A_16, %dot_general3A_17 {dimension_numbers = #tpu.dot_dimension_numbers<[1], [0], [0], [1], [0, 0, 1, 1], [], []>, transpose_lhs_hint = false} : vector<4096x128xbf16>, vector<128x1024xbf16>, vector<4096x1024xf32> -> vector<4096x1024xf32>
    %add3A = arith.addf %dot_general3A_13, %dot_general3A_18 : vector<4096x1024xf32>
    %get3A_19 = arith.constant 0 : index
    %get3A_20 = arith.constant 0 : index
    %get3A_21 = vector.load %arg4[%get3A_19, %get3A_20] : memref<1x1024xbf16, #tpu.memory_space<vmem>>, vector<1x1024xbf16>
    %convert_element_type3A_22 = arith.extf %get3A_21 : vector<1x1024xbf16> to vector<1x1024xf32>
    %add3A_23 = vector.broadcast %convert_element_type3A_22 : vector<1x1024xf32> to vector<4096x1024xf32>
    %add3A_24 = arith.addf %add3A, %add3A_23 : vector<4096x1024xf32>
    %max3A = arith.constant 0.000000e+00 : f32
    %max3A_25 = vector.broadcast %max3A : f32 to vector<4096x1024xf32>
    %max3A_26 = arith.maximumf %add3A_24, %max3A_25 : vector<4096x1024xf32>
    %convert_element_type3A_27 = arith.truncf %max3A_26 : vector<4096x1024xf32> to vector<4096x1024xbf16>
    %get3A_28 = arith.constant 0 : index
    %get3A_29 = arith.constant 0 : index
    %get3A_30 = vector.load %arg5[%get3A_28, %get3A_29] : memref<1024x128xbf16, #tpu.memory_space<vmem>>, vector<1024x128xbf16>
    %dot_general3A_31 = arith.constant dense<0.000000e+00> : vector<4096x128xf32>
    %dot_general3A_32 = tpu.matmul %convert_element_type3A_27, %get3A_30, %dot_general3A_31 {dimension_numbers = #tpu.dot_dimension_numbers<[1], [0], [0], [1], [0, 0, 1, 1], [], []>, transpose_lhs_hint = false} : vector<4096x1024xbf16>, vector<1024x128xbf16>, vector<4096x128xf32> -> vector<4096x128xf32>
    %get3A_33 = arith.constant 0 : index
    %get3A_34 = arith.constant 0 : index
    %get3A_35 = vector.load %arg6[%get3A_33, %get3A_34] : memref<1x128xf32, #tpu.memory_space<vmem>>, vector<1x128xf32>
    %add3A_36 = vector.broadcast %get3A_35 : vector<1x128xf32> to vector<4096x128xf32>
    %add3A_37 = arith.addf %dot_general3A_32, %add3A_36 : vector<4096x128xf32>
    %reduce_max3A = arith.constant dense<0xFF800000> : vector<4096xf32>
    %reduce_max3A_38 = vector.multi_reduction <maximumf>, %add3A_37, %reduce_max3A [1] : vector<4096x128xf32> to vector<4096xf32>
    %broadcast_in_dim3A = vector.shape_cast %reduce_max3A_38 : vector<4096xf32> to vector<4096x1xf32>
    %sub3A = vector.broadcast %broadcast_in_dim3A : vector<4096x1xf32> to vector<4096x128xf32>
    %sub3A_39 = arith.subf %add3A_37, %sub3A : vector<4096x128xf32>
    %exp3A = math.exp %sub3A_39 : vector<4096x128xf32>
    %reduce_sum3A = arith.constant dense<0.000000e+00> : vector<4096xf32>
    %reduce_sum3A_40 = vector.multi_reduction <add>, %exp3A, %reduce_sum3A [1] : vector<4096x128xf32> to vector<4096xf32>
    %broadcast_in_dim3A_41 = vector.shape_cast %reduce_sum3A_40 : vector<4096xf32> to vector<4096x1xf32>
    %div3A = arith.constant 1.000000e+00 : f32
    %div3A_42 = vector.broadcast %div3A : f32 to vector<4096x1xf32>
    %div3A_43 = arith.divf %div3A_42, %broadcast_in_dim3A_41 : vector<4096x1xf32>
    %mul3A = vector.broadcast %div3A_43 : vector<4096x1xf32> to vector<4096x128xf32>
    %mul3A_44 = arith.mulf %exp3A, %mul3A : vector<4096x128xf32>
    %swap3A = arith.constant 0 : index
    %swap3A_45 = arith.constant 0 : index
    %swap3A_46 = vector.load %arg7[%swap3A, %swap3A_45] : memref<4096x128xf32, #tpu.memory_space<vmem>>, vector<4096x128xf32>
    tpu.vector_store %arg7[%swap3A, %swap3A_45], %mul3A_44 {strides = array<i32>} : memref<4096x128xf32, #tpu.memory_space<vmem>>, vector<4096x128xf32>,
    return
  }
  func.func @transform_0(%arg0: i32) -> (i32, i32, i32) {
    %c0_i32 = arith.constant 0 : i32
    %c0_i32_0 = arith.constant 0 : i32
    %c0_i32_1 = arith.constant 0 : i32
    return %c0_i32, %arg0, %c0_i32_0 : i32, i32, i32
  }
  func.func @transform_1(%arg0: i32) -> (i32, i32) {
    %c0_i32 = arith.constant 0 : i32
    %c0_i32_0 = arith.constant 0 : i32
    %c0_i32_1 = arith.constant 0 : i32
    return %c0_i32, %c0_i32_0 : i32, i32
  }
  func.func @transform_2(%arg0: i32) -> (i32, i32) {
    %c0_i32 = arith.constant 0 : i32
    %c0_i32_0 = arith.constant 0 : i32
    %c0_i32_1 = arith.constant 0 : i32
    return %c0_i32, %c0_i32_0 : i32, i32
  }
  func.func @transform_3(%arg0: i32) -> (i32, i32) {
    %c0_i32 = arith.constant 0 : i32
    %c0_i32_0 = arith.constant 0 : i32
    %c0_i32_1 = arith.constant 0 : i32
    return %c0_i32, %c0_i32_0 : i32, i32
  }
  func.func @transform_4(%arg0: i32) -> (i32, i32) {
    %c0_i32 = arith.constant 0 : i32
    %c0_i32_0 = arith.constant 0 : i32
    %c0_i32_1 = arith.constant 0 : i32
    return %c0_i32, %c0_i32_0 : i32, i32
  }
  func.func @transform_5(%arg0: i32) -> (i32, i32) {
    %c0_i32 = arith.constant 0 : i32
    %c0_i32_0 = arith.constant 0 : i32
    %c0_i32_1 = arith.constant 0 : i32
    return %c0_i32, %c0_i32_0 : i32, i32
  }
  func.func @transform_6(%arg0: i32) -> (i32, i32) {
    %c0_i32 = arith.constant 0 : i32
    %c0_i32_0 = arith.constant 0 : i32
    return %arg0, %c0_i32 : i32, i32
  }
}

</mosaic_0001>

<sc_bundles>
// kernel: kernel.4.cloned.1.call-start
scs
__scs_entry_jumppad:
0x0: {  	(pc) =	sbr.rel $0x88, $3  }
0x1: {  	(tag) =	ssettag $0x0;
	lr =	simm.s32 $0x1  }
0x2: {  	[smem:$0x3F9A] =	sst lr;
	_ =	strace $0xD0000000  }
0x3: {  	_ = 	snop  }
0x4: {  	_ = 	snop  }
0x5: {  	_ = 	snop  }
0x6: {  	_ = 	snop  }
0x7: {  	_ = 	snop  }
__scs_overlays_trampoline_lowered:
0x8: {  	[smem:$0x3FA9] =	sst s0  }
0x9: {  	[smem:$0x3FAA] =	sst s1  }
0xa: {  	[smem:$0x3FAB] =	sst s2  }
0xb: {  	[smem:$0x3FAC] =	sst s3  }
0xc: {  	[smem:$0x3FAD] =	sst s4  }
0xd: {  	[smem:$0x3FAE] =	sst s5  }
0xe: {  	[smem:$0x3FAF] =	sst s6  }
0xf: {  	[smem:$0x3FB0] =	sst s7  }
0x10: {  	[smem:$0x3FB1] =	sst s8  }
0x11: {  	[smem:$0x3FB2] =	sst s9;
	s0 =	simm.s32 @!p0 $0x0  }
0x12: {  	s1 =	sld [smem:$0x3F98];
	s0 =	simm.s32 @p0 $0x1  }
0x13: {  	[smem:$0x3FB3] =	sst s0;
	s0 =	simm.s32 @!p1 $0x0  }
0x14: {  	s2 =	sld [smem:$0x3F97];
	s0 =	simm.s32 @p1 $0x1  }
0x15: {  	[smem:$0x3FB4] =	sst s0;
	s0 =	simm.s32 @!p2 $0x0  }
0x16: {  	s3 =	sld [smem:$0x3FDB];
	s0 =	simm.s32 @p2 $0x1  }
0x17: {  	s4 =	simm.s32 $0x1BF5;
	[smem:$0x3FB6] =	sst s0  }
0x18: {  	s0 =	sld [smem:$0x3F99];
	_ =	swait.ge [sflag:s4], $0x0  }
0x19: {  	s7 =	sld [smem:$0x3F9A]  }
0x1a: {  	s8 =	sadd.s32 $0xFFFFE003, lr  }
0x1b: {  	s9 =	sadd.s32 $0xFFFFFEF7, lr;
	s5 =	simm.s32 $0xFFFFFFFF;
	p2 =	slt.u32 s8, $0xFFFFF086  }
0x1c: {  	p1 =	slt.u32 s9, $0xF7A;
	s5 =	simm.s32 @!p2 $0x0  }
0x1d: {  	s5 =	simm.s32 @p1 $0x1;
	p0 =	seq.s32 s7, s2  }
0x1e: {  	s7 =	smul.u32 @!p0 $0xF7A, s2;
	p2 =	seq.s32 @!p0 s5, $0x0  }
0x1f: {  	s9 =	smul.u32 $0xF7A, s1;
	s8 =	simm.s32 @!p0 $0x1BF5;
	p2 =	por !p2, p0  }
0x20: {  	[sflag:s8] =	ssyncset.s32 @!p0 $0xFFFFF086;
	s6 =	sadd.s32 @!p0 s3, s7;
	s7 =	simm.s32 @!p0 $0x108  }
0x21: {  	s3 =	sadd.s32 s3, s9;
	s6 =	sadd.s32 @!p0 $0x88, s6;
	s7 =	simm.s32 @p2 $0x1082  }
0x22: {  	[simem:s7], [sflag:s8] =	dma.local @!p0 [hbm:s6], $0xF7A  }
0x23: {  	s9 =	sor.u32 $0xD0000000, s2;
	s6 =	simm.s32 $0x108;
	_ =	swait.ge @!p0 [sflag:s8], $0x0  }
0x24: {  	s3 =	sadd.s32 $0x88, s3;
	s6 =	simm.s32 @!p1 $0x1082;
	[sflag:s4] =	ssyncset.s32 $0xFFFFF086  }
0x25: {  	[simem:s6], [sflag:s4] =	dma.local [hbm:s3], $0xF7A  }
0x26: {  	[smem:$0x3F9A] =	sst s1;
	(tag) =	ssettag s2;
	_ =	strace s9  }
0x27: {  	s1 =	sld [smem:$0x3FAA]  }
0x28: {  	s2 =	sld [smem:$0x3FAB]  }
0x29: {  	s4 =	sld [smem:$0x3FAD]  }
0x2a: {  	p0 =	seq.s32 s5, $0x0;
	s5 =	sld [smem:$0x3FAE]  }
0x2b: {  	s6 =	sld [smem:$0x3FAF]  }
0x2c: {  	s7 =	sld [smem:$0x3FB0]  }
0x2d: {  	s3 =	simm.s32 $0x108;
	s8 =	sld [smem:$0x3FB1]  }
0x2e: {  	s3 =	simm.s32 @!p0 $0x1082;
	s9 =	sld [smem:$0x3FB2]  }
0x2f: {  	lr =	sadd.s32 s0, s3;
	s0 =	sld [smem:$0x3FA9]  }
0x30: {  	s3 =	sld [smem:$0x3FAC]  }
0x31: {  	[smem:$0x3FB5] =	sst s10  }
0x32: {  	s10 =	sld [smem:$0x3FB3];
	_ =	sdelay $0x3  }
0x33: {  	p0 =	seq.s32 s10, $0x1;
	s10 =	sld [smem:$0x3FB5];
	_ =	sdelay $0x3  }
0x34: {  	[smem:$0x3FB5] =	sst s10  }
0x35: {  	s10 =	sld [smem:$0x3FB4];
	_ =	sdelay $0x3  }
0x36: {  	p1 =	seq.s32 s10, $0x1;
	s10 =	sld [smem:$0x3FB5];
	_ =	sdelay $0x3  }
0x37: {  	[smem:$0x3FB5] =	sst s10  }
0x38: {  	s10 =	sld [smem:$0x3FB6]  }
0x39: {  	_ = 	snop;
	(pc) =	sbr.ind lr, $3  }
0x3a: {  	_ = 	snop  }
0x3b: {  	_ = 	snop  }
0x3c: {  	p2 =	seq.s32 s10, $0x1;
	s10 =	sld [smem:$0x3FB5]  }
0x3d: {  	_ =	shalt  }
0x3e: {  	_ =	shalt  }
0x3f: {  	_ =	shalt  }
0x40: {  	_ =	shalt  }
0x41: {  	_ =	shalt  }
0x42: {  	_ =	shalt  }
0x43: {  	_ =	shalt  }
0x44: {  	_ =	shalt  }
0x45: {  	_ =	shalt  }
0x46: {  	_ =	shalt  }
0x47: {  	_ =	shalt  }
0x48: {  	_ =	shalt  }
0x49: {  	_ =	shalt  }
0x4a: {  	_ =	shalt  }
0x4b: {  	_ =	shalt  }
0x4c: {  	_ =	shalt  }
0x4d: {  	_ =	shalt  }
0x4e: {  	_ =	shalt  }
0x4f: {  	_ =	shalt  }
0x50: {  	_ =	shalt  }
0x51: {  	_ =	shalt  }
0x52: {  	_ =	shalt  }
0x53: {  	_ =	shalt  }
0x54: {  	_ =	shalt  }
0x55: {  	_ =	shalt  }
0x56: {  	_ =	shalt  }
0x57: {  	_ =	shalt  }
0x58: {  	_ =	shalt  }
0x59: {  	_ =	shalt  }
0x5a: {  	_ =	shalt  }
0x5b: {  	_ =	shalt  }
0x5c: {  	_ =	shalt  }
0x5d: {  	_ =	shalt  }
0x5e: {  	_ =	shalt  }
0x5f: {  	_ =	shalt  }
0x60: {  	_ =	shalt  }
0x61: {  	_ =	shalt  }
0x62: {  	_ =	shalt  }
0x63: {  	_ =	shalt  }
0x64: {  	_ =	shalt  }
0x65: {  	_ =	shalt  }
0x66: {  	_ =	shalt  }
0x67: {  	_ =	shalt  }
0x68: {  	_ =	shalt  }
0x69: {  	_ =	shalt  }
0x6a: {  	_ =	shalt  }
0x6b: {  	_ =	shalt  }
0x6c: {  	_ =	shalt  }
0x6d: {  	_ =	shalt  }
0x6e: {  	_ =	shalt  }
0x6f: {  	_ =	shalt  }
0x70: {  	_ =	shalt  }
0x71: {  	_ =	shalt  }
0x72: {  	_ =	shalt  }
0x73: {  	_ =	shalt  }
0x74: {  	_ =	shalt  }
0x75: {  	_ =	shalt  }
0x76: {  	_ =	shalt  }
0x77: {  	_ =	shalt  }
0x78: {  	_ =	shalt  }
0x79: {  	_ =	shalt  }
0x7a: {  	_ =	shalt  }
0x7b: {  	_ =	shalt  }
0x7c: {  	_ =	shalt  }
0x7d: {  	_ =	shalt  }
0x7e: {  	_ =	shalt  }
0x7f: {  	_ =	shalt  }
0x80: {  	_ =	shalt  }
0x81: {  	_ =	shalt  }
0x82: {  	_ =	shalt  }
0x83: {  	_ =	shalt  }
0x84: {  	_ =	shalt  }
0x85: {  	_ =	shalt  }
0x86: {  	_ =	shalt  }
0x87: {  	_ =	shalt  }
.Lfunc_end0:
.L_simem_size_0:
called_computation_lowered:
.L_overlay_start_0:
0x88: {  	s2 =	sld [smem:$0x3FD9]  }
0x89: {  	s3 =	sld [smem:$0x3FFE];
	_ =	sdelay $0x1  }
0x8a: {  	s1 =	srdreg.scid  }
0x8b: {  	s0 =	sand.u32 $0x1, s1  }
0x8c: {  	s17 =	sshll.u32 s0, $0xA;
	s2 =	sadd.s32 s3, s2  }
0x8d: {  	s2 =	sadd.s32 s2, s17  }
0x8e: {  	[smem:$0x3FC1] =	sst s2  }
0x8f: {  	_ = 	snop  }
0x90: {  	s2 =	sld [smem:$0x3FC9]  }
0x91: {  	s18 =	sld [smem:$0x3FC8]  }
0x92: {  	s4 =	sld [smem:$0x3FC7];
	(tm) =	ssettm $0x1  }
0x93: {  	s5 =	sld [smem:$0x3FFB];
	_ =	sdelay $0x3  }
0x94: {  	_ =	strace s5  }
0x95: {  	s5 =	sld [smem:$0x3FFC];
	_ =	sdelay $0x3  }
0x96: {  	_ =	strace s5  }
0x97: {  	s5 =	sld [smem:$0x3FFD];
	_ =	sdelay $0x3  }
0x98: {  	_ =	strace s5  }
0x99: {  	_ =	strace $0x8FFFFFFF  }
0x9a: {  	s19 =	sld [smem:$0x3FDB];
	_ =	sdelay $0x1  }
0x9b: {  	s6 =	simm.s32 $_scs_section_size  }
0x9c: {  	s7 =	simm.s32 $_size__tile_overlayer_lowered;
	s8 =	simm.s32 $_tile_overlayer_lowered  }
0x9d: {  	s22 =	simm.s32 $0x1BFF;
	s21 =	sshll.u32 s8, $0x1;
	s5 =	sadd.s32 s6, s19  }
0x9e: {  	s9 =	simm.s32 $0x0;
	s20 =	sshll.u32 s7, $0x1;
	s7 =	sadd.s32 s21, s5  }
0x9f: {  	[timem:s9], [sflag:s22] =	dma.local [hbm:s7], s20  }
0xa0: {  	_ =	swait.ge [sflag:s22], s20  }
0xa1: {  	s6 =	ssub.s32 $0x0, s20;
	[sflag:s22] =	ssyncset.done $0x0  }
0xa2: {  	[sflag:s22] =	ssyncadd.s32 s6;
	_ =	sdelay $0x1  }
0xa3: {  	s23 =	simm.s32 $0x1B8B  }
0xa4: {  	_ =	swait.ge [sflag:s23], $0x1  }
0xa5: {  	[sflag:s23] =	ssyncset.done $0x0  }
0xa6: {  	s25 =	simm.s32 $0x1B8E;
	s24 =	sld [smem:$0x3FFE];
	[sflag:s23] =	ssyncadd.s32 $0xFFFFFFFF  }
0xa7: {  	s26 =	simm.s32 $execute0_lowered;
	[smem:$0x3FD2] =	sst s25  }
0xa8: {  	s7 =	sshll.u32 s26, $0x1;
	_ =	strace $0x80000046;
	[dreg:$0x1] =	wrdreg $0xFFFFFFFF  }
0xa9: {  	s28 =	simm.s32 $_size_execute0_lowered;
	s5 =	sadd.s32 s5, s7;
	[dreg:$0x0] =	wrdreg $0x0  }
0xaa: {  	s7 =	sshll.u32 s28, $0x1;
	[dreg:$0x2] =	wrdreg s5  }
0xab: {  	[dreg:$0x3] =	wrdreg s7  }
0xac: {  	[dreg:$0x4] =	wrdreg $0xC0  }
0xad: {  	_ =	task [dreg:s9], $0x5FFFF  }
0xae: {  	[dreg:$0x1] =	wrdreg $0xFFFFFFFF  }
0xaf: {  	[dreg:$0x0] =	wrdreg $0x60  }
0xb0: {  	[dreg:$0x2] =	wrdreg s4  }
0xb1: {  	[dreg:$0x3] =	wrdreg s2  }
0xb2: {  	[dreg:$0x4] =	wrdreg s18  }
0xb3: {  	[dreg:$0x5] =	wrdreg s24  }
0xb4: {  	[dreg:$0x6] =	wrdreg $0x9  }
0xb5: {  	_ =	task.clear_ibuf [dreg:s9], $0x7FFFF;
	_ =	strace $0x90000046  }
0xb6: {  	s29 =	simm.s32 $0x9;
	_ =	strace $0x80000048  }
0xb7: {  	_ =	swait.ge [sflag:s29], $0x1  }
0xb8: {  	[sflag:s29] =	ssyncadd.s32 $0xFFFFFFFF  }
0xb9: {  	_ =	strace $0x90000048  }
0xba: {  	_ =	sfence  }
0xbb: {  	s30 =	sld [smem:$0x0];
	_ =	sdelay $0x2  }
0xbc: {  	s31 =	sshll.u32 s1, $0xD;
	s1 =	sshrl.u32 s1, $0x2  }
0xbd: {  	s3 =	sand.u32 $0x4000, s31;
	s1 =	sadd.s32 s1, s30  }
0xbe: {  	s0 =	sor.u32 s3, s0;
	s1 =	sshll.u32 s1, $0x11  }
0xbf: {  	s0 =	sor.u32 s1, s0  }
0xc0: {  	s0 =	sadd.s32 $0x8F2B, s0  }
0xc1: {  	[sflag:s0] =	ssyncadd.remote.s32 $0x1  }
0xc2: {  	_ =	sfence.sel $0xFFFF  }
0xc3: {  	[dreg:$0x0] =	wrdreg $0xFFFFFFFF;
	(pc) =	sbr.abs _section_cstart, $3  }
0xc4: {  	[dreg:$0x1] =	wrdreg $0xFFFFFFFF  }
0xc5: {  	_ =	task.clear_ibuf [dreg:s9], $0x2FFFF;
	_ =	strace $0x9FFFFFFF  }
0xc6: {  	(tm) =	ssettm $0x7FFFFFFF  }
0xc7: {  	_ =	shalt  }
tec
execute0_lowered:
.L_overlay_start_1:
0x0: {  	(tag) =	ssettag $0x1  }
0x1: {  	s3 =	rddreg [dreg:$0x0]  }
0x2: {  	s0 =	rddreg [dreg:$0x1]  }
0x3: {  	s1 =	rddreg [dreg:$0x2]  }
0x4: {  	s4 =	rddreg [dreg:$0x3]  }
0x5: {  	s29 =	rddreg [dreg:$0x4]  }
0x6: {  	s5 =	srdreg.scid;
	s2 =	simm.s32 $0x0;
	s8 =	stileid.u32  }
0x7: {  	s28 =	simm.s32 $0xF;
	s21 =	simm.s32 $0x80;
	s24 =	simm.s32 $0x100  }
0x8: {  	s20 =	simm.s32 $0x4400;
	s18 =	simm.s32 $0x8400;
	s16 =	simm.s32 $0xC400  }
0x9: {  	s15 =	simm.s32 $0x10400;
	s31 =	simm.s32 $0x300;
	s30 =	simm.s32 $0x380  }
0xa: {  	s23 =	simm.s32 $0x4;
	s22 =	simm.s32 $0x5;
	s19 =	simm.s32 $0x6  }
0xb: {  	s17 =	simm.s32 $0x7;
	s5 =	sand.u32 $0x1, s5;
	[smem:$0x7FF] =	sst s2  }
0xc: {  	s6 =	sshll.u32 s8, $0x7;
	s8 =	sshll.u32 s8, $0xE;
	s7 =	sshll.u32 s5, $0x6  }
0xd: {  	s9 =	sshll.u32 s5, $0xD;
	_ =	strace $0x80000047;
	s6 =	sor.u32 s7, s6  }
0xe: {  	[dreg:$0xf] =	wrdreg s24;
	s25 =	sor.u32 s9, s8;
	s0 =	sadd.s32 s0, s6  }
0xf: {  	s4 =	sadd.s32 s25, s4;
	s26 =	sadd.s32 s1, s6;
	[dreg:$0x5] =	wrdreg s0  }
0x10: {  	p0 =	por $0x0, $0x0;
	[dreg:$0x6] =	wrdreg s26;
	s1 =	sadd.s32 $0xE00, s4  }
0x11: {  	s11 =	ssub.s32 $0x2, s5;
	s6 =	sadd.s32 $0x1600, s4;
	[dreg:$0x7] =	wrdreg s1  }
0x12: {  	s24 =	simm.s32 $0x3;
	s7 =	sadd.s32 $0x1E00, s4;
	[dreg:$0x8] =	wrdreg s6  }
0x13: {  	s5 =	sshrl.u32 s11, $0x1;
	s8 =	sadd.s32 $0x2600, s4;
	[dreg:$0x9] =	wrdreg s7  }
0x14: {  	s25 =	simm.s32 $0x200;
	s9 =	sadd.s32 $0x40E00, s4;
	[dreg:$0xa] =	wrdreg s8  }
0x15: {  	s10 =	sadd.s32 $0x41600, s4;
	s12 =	sadd.s32 $0x41E00, s4;
	[dreg:$0xb] =	wrdreg s9  }
0x16: {  	s13 =	sadd.s32 $0x42600, s4;
	[dreg:$0xc] =	wrdreg s10;
	s1 =	ssub.s32 s11, s5  }
0x17: {  	s26 =	simm.s32 $0x180;
	[dreg:$0xd] =	wrdreg s12;
	s14 =	smax.u32 s1, $0x1  }
0x18: {  	s4 =	simm.s32 $0x8;
	[dreg:$0xe] =	wrdreg s13;
	p1 =	sne.s32 s14, $0x1  }
.Ltmp0:
0x19: {  	s5 =	simm.s32 $0x400;
	[dreg:$0x10] =	wrdreg s26;
	(pc) =	sbr.rel @!p1 .LBB2_1-.Ltmp0, $4  }
0x1a: {  	s12 =	simm.s32 $0x14400;
	s10 =	simm.s32 $0x18400;
	s7 =	simm.s32 $0x1  }
0x1b: {  	s26 =	simm.s32 $0x2;
	s13 =	simm.s32 $0xA;
	s11 =	simm.s32 $0xB  }
0x1c: {  	s9 =	simm.s32 $0xC;
	s8 =	simm.s32 $0xD;
	s6 =	simm.s32 $0xE  }
0x1d: {  	s1 =	rddreg [dreg:$0x5];
	s0 =	sadd.s32 $0xFFFFFFFF, s14;
	s14 =	simm.s32 $0x9  }
0x1e: {  	[tilespmem:s2], [sflag:$0xF] =	stream.linear.gather [hbm4b:s1+s2], $0x200, $0x38;
	[tilespmem:$0x1C400] =	vst v63  }
0x1f: {  	_ =	swait.ge [sflag:s28], $0x200  }
0x20: {  	[sflag:s28] =	ssyncset.done $0x0  }
0x21: {  	s29 =	rddreg [dreg:$0x6];
	[sflag:s28] =	ssyncadd.s32 $0xFFFFFE00  }
0x22: {  	[tilespmem:s25], [sflag:$0xF] =	stream.linear.gather [hbm4b:s29+s2], $0x200, $0x38;
	[tilespmem:$0x1C400] =	vst v63  }
0x23: {  	_ =	swait.ge [sflag:s28], $0x200  }
0x24: {  	[sflag:s28] =	ssyncset.done $0x0  }
0x25: {  	[sflag:s28] =	ssyncadd.s32 $0xFFFFFE00  }
0x26: {  	[tilespmem:s5], [sflag:$0x1] =	stream.indirect.gather [hbm4b:s3+s21], $0x80, s2, s21, $0xb8;
	[tilespmem:$0x1C400] =	vst v63  }
0x27: {  	_ = 	snop  }
0x28: {  	[tilespmem:s20], [sflag:$0x2] =	stream.indirect.gather [hbm4b:s3+s21], $0x80, s21, s21, $0xb8;
	[tilespmem:$0x1C400] =	vst v63  }
0x29: {  	s1 =	rddreg [dreg:$0xf]  }
0x2a: {  	[tilespmem:s18], [sflag:$0x3] =	stream.indirect.gather [hbm4b:s3+s21], $0x80, s1, s21, $0xb8;
	[tilespmem:$0x1C400] =	vst v63  }
0x2b: {  	s29 =	smov.u32 s0;
	s0 =	rddreg [dreg:$0x10]  }
0x2c: {  	[tilespmem:s16], [sflag:$0x4] =	stream.indirect.gather [hbm4b:s3+s21], $0x80, s0, s21, $0xb8;
	[tilespmem:$0x1C400] =	vst v63  }
0x2d: {  	_ = 	snop  }
0x2e: {  	[tilespmem:s15], [sflag:$0x5] =	stream.indirect.gather [hbm4b:s3+s21], $0x80, s25, s21, $0xb8;
	[tilespmem:$0x1C400] =	vst v63  }
0x2f: {  	s1 =	simm.s32 $0x280  }
0x30: {  	[tilespmem:s12], [sflag:$0x6] =	stream.indirect.gather [hbm4b:s3+s21], $0x80, s1, s21, $0xb8;
	[tilespmem:$0x1C400] =	vst v63  }
0x31: {  	_ = 	snop  }
0x32: {  	[tilespmem:s10], [sflag:$0x7] =	stream.indirect.gather [hbm4b:s3+s21], $0x80, s31, s21, $0xb8;
	[tilespmem:$0x1C400] =	vst v63  }
0x33: {  	_ =	swait.ge [sflag:s7], $0x4000  }
0x34: {  	[sflag:s7] =	ssyncset.done $0x0  }
0x35: {  	s1 =	rddreg [dreg:$0x7];
	[sflag:s7] =	ssyncadd.s32 $0xFFFFC000  }
0x36: {  	[hbm4b:s1+s2] =	stream.linear.scatter [tilespmem:s5], [sflag:$0x8], $0x4000, $0x38;
	[tilespmem:$0x1C400] =	vst v63  }
0x37: {  	_ =	swait.ge [sflag:s4], $0x4000  }
0x38: {  	[sflag:s4] =	ssyncset.done $0x0  }
0x39: {  	[sflag:s4] =	ssyncadd.s32 $0xFFFFC000  }
0x3a: {  	[tilespmem:s5], [sflag:$0x1] =	stream.indirect.gather [hbm4b:s3+s21], $0x80, s30, s21, $0xb8;
	[tilespmem:$0x1C400] =	vst v63  }
0x3b: {  	_ =	swait.ge [sflag:s26], $0x4000  }
0x3c: {  	[sflag:s26] =	ssyncset.done $0x0  }
0x3d: {  	s1 =	rddreg [dreg:$0x8];
	[sflag:s26] =	ssyncadd.s32 $0xFFFFC000  }
0x3e: {  	[hbm4b:s1+s2] =	stream.linear.scatter [tilespmem:s20], [sflag:$0x9], $0x4000, $0x38;
	[tilespmem:$0x1C400] =	vst v63  }
0x3f: {  	_ =	swait.ge [sflag:s24], $0x4000  }
0x40: {  	[sflag:s24] =	ssyncset.done $0x0  }
0x41: {  	s1 =	rddreg [dreg:$0x9];
	[sflag:s24] =	ssyncadd.s32 $0xFFFFC000  }
0x42: {  	[hbm4b:s1+s2] =	stream.linear.scatter [tilespmem:s18], [sflag:$0xA], $0x4000, $0x38;
	[tilespmem:$0x1C400] =	vst v63  }
0x43: {  	_ =	swait.ge [sflag:s23], $0x4000  }
0x44: {  	[sflag:s23] =	ssyncset.done $0x0  }
0x45: {  	s1 =	rddreg [dreg:$0xa];
	[sflag:s23] =	ssyncadd.s32 $0xFFFFC000  }
0x46: {  	[hbm4b:s1+s2] =	stream.linear.scatter [tilespmem:s16], [sflag:$0xB], $0x4000, $0x38;
	[tilespmem:$0x1C400] =	vst v63  }
0x47: {  	_ =	swait.ge [sflag:s22], $0x4000  }
0x48: {  	[sflag:s22] =	ssyncset.done $0x0  }
0x49: {  	s1 =	rddreg [dreg:$0xb];
	[sflag:s22] =	ssyncadd.s32 $0xFFFFC000  }
0x4a: {  	[hbm4b:s1+s2] =	stream.linear.scatter [tilespmem:s15], [sflag:$0xC], $0x4000, $0x38;
	[tilespmem:$0x1C400] =	vst v63  }
0x4b: {  	_ =	swait.ge [sflag:s19], $0x4000  }
0x4c: {  	[sflag:s19] =	ssyncset.done $0x0  }
0x4d: {  	s1 =	rddreg [dreg:$0xc];
	[sflag:s19] =	ssyncadd.s32 $0xFFFFC000  }
0x4e: {  	[hbm4b:s1+s2] =	stream.linear.scatter [tilespmem:s12], [sflag:$0xD], $0x4000, $0x38;
	[tilespmem:$0x1C400] =	vst v63  }
0x4f: {  	_ =	swait.ge [sflag:s17], $0x4000  }
0x50: {  	[sflag:s17] =	ssyncset.done $0x0  }
0x51: {  	s1 =	rddreg [dreg:$0xd];
	[sflag:s17] =	ssyncadd.s32 $0xFFFFC000  }
0x52: {  	[hbm4b:s1+s2] =	stream.linear.scatter [tilespmem:s10], [sflag:$0xE], $0x4000, $0x38;
	[tilespmem:$0x1C400] =	vst v63  }
0x53: {  	_ =	swait.ge [sflag:s7], $0x4000  }
0x54: {  	[sflag:s7] =	ssyncset.done $0x0  }
0x55: {  	s1 =	rddreg [dreg:$0xe];
	[sflag:s7] =	ssyncadd.s32 $0xFFFFC000  }
0x56: {  	[hbm4b:s1+s2] =	stream.linear.scatter [tilespmem:s5], [sflag:$0x8], $0x4000, $0x38;
	[tilespmem:$0x1C400] =	vst v63  }
0x57: {  	_ =	swait.ge [sflag:s14], $0x4000  }
0x58: {  	[sflag:s14] =	ssyncset.done $0x0  }
0x59: {  	[sflag:s14] =	ssyncadd.s32 $0xFFFFC000  }
0x5a: {  	_ =	swait.ge [sflag:s13], $0x4000  }
0x5b: {  	[sflag:s13] =	ssyncset.done $0x0  }
0x5c: {  	[sflag:s13] =	ssyncadd.s32 $0xFFFFC000  }
0x5d: {  	_ =	swait.ge [sflag:s11], $0x4000  }
0x5e: {  	[sflag:s11] =	ssyncset.done $0x0  }
0x5f: {  	[sflag:s11] =	ssyncadd.s32 $0xFFFFC000  }
0x60: {  	_ =	swait.ge [sflag:s9], $0x4000  }
0x61: {  	[sflag:s9] =	ssyncset.done $0x0  }
0x62: {  	[sflag:s9] =	ssyncadd.s32 $0xFFFFC000  }
0x63: {  	_ =	swait.ge [sflag:s8], $0x4000  }
0x64: {  	[sflag:s8] =	ssyncset.done $0x0  }
0x65: {  	p1 =	sne.s32 s29, $0x1;
	[sflag:s8] =	ssyncadd.s32 $0xFFFFC000  }
.Ltmp1:
0x66: {  	_ =	swait.ge [sflag:s6], $0x4000;
	(pc) =	sbr.rel @!p1 .LBB2_3-.Ltmp1, $4  }
0x67: {  	[sflag:s6] =	ssyncset.done $0x0  }
0x68: {  	[sflag:s6] =	ssyncadd.s32 $0xFFFFC000  }
0x69: {  	p0 =	por $0x1, $0x1;
	_ =	swait.ge [sflag:s4], $0x4000  }
0x6a: {  	s0 =	sadd.s32 $0xFFFFFFFF, s29;
	s1 =	rddreg [dreg:$0x5];
	[sflag:s4] =	ssyncset.done $0x0  }
.LBB2_4:
0x6b: {  	[sflag:s4] =	ssyncadd.s32 $0xFFFFC000  }
0x6c: {  	[tilespmem:s2], [sflag:$0xF] =	stream.linear.gather [hbm4b:s1+s2], $0x200, $0x38;
	[tilespmem:$0x1C400] =	vst v63  }
0x6d: {  	_ =	swait.ge [sflag:s28], $0x200  }
0x6e: {  	[sflag:s28] =	ssyncset.done $0x0  }
0x6f: {  	s29 =	rddreg [dreg:$0x6];
	[sflag:s28] =	ssyncadd.s32 $0xFFFFFE00  }
0x70: {  	[tilespmem:s25], [sflag:$0xF] =	stream.linear.gather [hbm4b:s29+s2], $0x200, $0x38;
	[tilespmem:$0x1C400] =	vst v63  }
0x71: {  	_ =	swait.ge [sflag:s28], $0x200  }
0x72: {  	[sflag:s28] =	ssyncset.done $0x0  }
0x73: {  	[sflag:s28] =	ssyncadd.s32 $0xFFFFFE00  }
0x74: {  	[tilespmem:s5], [sflag:$0x1] =	stream.indirect.gather [hbm4b:s3+s21], $0x80, s2, s21, $0xb8;
	[tilespmem:$0x1C400] =	vst v63  }
0x75: {  	_ = 	snop  }
0x76: {  	[tilespmem:s20], [sflag:$0x2] =	stream.indirect.gather [hbm4b:s3+s21], $0x80, s21, s21, $0xb8;
	[tilespmem:$0x1C400] =	vst v63  }
0x77: {  	s1 =	rddreg [dreg:$0xf]  }
0x78: {  	[tilespmem:s18], [sflag:$0x3] =	stream.indirect.gather [hbm4b:s3+s21], $0x80, s1, s21, $0xb8;
	[tilespmem:$0x1C400] =	vst v63  }
0x79: {  	s29 =	rddreg [dreg:$0x10]  }
0x7a: {  	[tilespmem:s16], [sflag:$0x4] =	stream.indirect.gather [hbm4b:s3+s21], $0x80, s29, s21, $0xb8;
	[tilespmem:$0x1C400] =	vst v63  }
0x7b: {  	_ = 	snop  }
0x7c: {  	[tilespmem:s15], [sflag:$0x5] =	stream.indirect.gather [hbm4b:s3+s21], $0x80, s25, s21, $0xb8;
	[tilespmem:$0x1C400] =	vst v63  }
0x7d: {  	s29 =	simm.s32 $0x280  }
0x7e: {  	[tilespmem:s12], [sflag:$0x6] =	stream.indirect.gather [hbm4b:s3+s21], $0x80, s29, s21, $0xb8;
	[tilespmem:$0x1C400] =	vst v63  }
0x7f: {  	_ = 	snop  }
0x80: {  	[tilespmem:s10], [sflag:$0x7] =	stream.indirect.gather [hbm4b:s3+s21], $0x80, s31, s21, $0xb8;
	[tilespmem:$0x1C400] =	vst v63  }
0x81: {  	_ =	swait.ge [sflag:s7], $0x4000  }
0x82: {  	[sflag:s7] =	ssyncset.done $0x0  }
0x83: {  	s29 =	rddreg [dreg:$0x7];
	[sflag:s7] =	ssyncadd.s32 $0xFFFFC000  }
0x84: {  	[hbm4b:s29+s2] =	stream.linear.scatter [tilespmem:s5], [sflag:$0x8], $0x4000, $0x38;
	[tilespmem:$0x1C400] =	vst v63  }
0x85: {  	_ =	swait.ge [sflag:s4], $0x4000  }
0x86: {  	[sflag:s4] =	ssyncset.done $0x0  }
0x87: {  	[sflag:s4] =	ssyncadd.s32 $0xFFFFC000  }
0x88: {  	[tilespmem:s5], [sflag:$0x1] =	stream.indirect.gather [hbm4b:s3+s21], $0x80, s30, s21, $0xb8;
	[tilespmem:$0x1C400] =	vst v63  }
0x89: {  	_ =	swait.ge [sflag:s26], $0x4000  }
0x8a: {  	[sflag:s26] =	ssyncset.done $0x0  }
0x8b: {  	s29 =	rddreg [dreg:$0x8];
	[sflag:s26] =	ssyncadd.s32 $0xFFFFC000  }
0x8c: {  	[hbm4b:s29+s2] =	stream.linear.scatter [tilespmem:s20], [sflag:$0x9], $0x4000, $0x38;
	[tilespmem:$0x1C400] =	vst v63  }
0x8d: {  	_ =	swait.ge [sflag:s24], $0x4000  }
0x8e: {  	[sflag:s24] =	ssyncset.done $0x0  }
0x8f: {  	s29 =	rddreg [dreg:$0x9];
	[sflag:s24] =	ssyncadd.s32 $0xFFFFC000  }
0x90: {  	[hbm4b:s29+s2] =	stream.linear.scatter [tilespmem:s18], [sflag:$0xA], $0x4000, $0x38;
	[tilespmem:$0x1C400] =	vst v63  }
0x91: {  	_ =	swait.ge [sflag:s23], $0x4000  }
0x92: {  	[sflag:s23] =	ssyncset.done $0x0  }
0x93: {  	s29 =	rddreg [dreg:$0xa];
	[sflag:s23] =	ssyncadd.s32 $0xFFFFC000  }
0x94: {  	[hbm4b:s29+s2] =	stream.linear.scatter [tilespmem:s16], [sflag:$0xB], $0x4000, $0x38;
	[tilespmem:$0x1C400] =	vst v63  }
0x95: {  	_ =	swait.ge [sflag:s22], $0x4000  }
0x96: {  	[sflag:s22] =	ssyncset.done $0x0  }
0x97: {  	s29 =	rddreg [dreg:$0xb];
	[sflag:s22] =	ssyncadd.s32 $0xFFFFC000  }
0x98: {  	[hbm4b:s29+s2] =	stream.linear.scatter [tilespmem:s15], [sflag:$0xC], $0x4000, $0x38;
	[tilespmem:$0x1C400] =	vst v63  }
0x99: {  	_ =	swait.ge [sflag:s19], $0x4000  }
0x9a: {  	[sflag:s19] =	ssyncset.done $0x0  }
0x9b: {  	s29 =	rddreg [dreg:$0xc];
	[sflag:s19] =	ssyncadd.s32 $0xFFFFC000  }
0x9c: {  	[hbm4b:s29+s2] =	stream.linear.scatter [tilespmem:s12], [sflag:$0xD], $0x4000, $0x38;
	[tilespmem:$0x1C400] =	vst v63  }
0x9d: {  	_ =	swait.ge [sflag:s17], $0x4000  }
0x9e: {  	[sflag:s17] =	ssyncset.done $0x0  }
0x9f: {  	s29 =	rddreg [dreg:$0xd];
	[sflag:s17] =	ssyncadd.s32 $0xFFFFC000  }
0xa0: {  	[hbm4b:s29+s2] =	stream.linear.scatter [tilespmem:s10], [sflag:$0xE], $0x4000, $0x38;
	[tilespmem:$0x1C400] =	vst v63  }
0xa1: {  	_ =	swait.ge [sflag:s7], $0x4000  }
0xa2: {  	[sflag:s7] =	ssyncset.done $0x0  }
0xa3: {  	s29 =	rddreg [dreg:$0xe];
	[sflag:s7] =	ssyncadd.s32 $0xFFFFC000  }
0xa4: {  	[hbm4b:s29+s2] =	stream.linear.scatter [tilespmem:s5], [sflag:$0x8], $0x4000, $0x38;
	[tilespmem:$0x1C400] =	vst v63  }
0xa5: {  	_ =	swait.ge [sflag:s14], $0x4000  }
0xa6: {  	[sflag:s14] =	ssyncset.done $0x0  }
0xa7: {  	[sflag:s14] =	ssyncadd.s32 $0xFFFFC000  }
0xa8: {  	_ =	swait.ge [sflag:s13], $0x4000  }
0xa9: {  	[sflag:s13] =	ssyncset.done $0x0  }
0xaa: {  	[sflag:s13] =	ssyncadd.s32 $0xFFFFC000  }
0xab: {  	_ =	swait.ge [sflag:s11], $0x4000  }
0xac: {  	[sflag:s11] =	ssyncset.done $0x0  }
0xad: {  	[sflag:s11] =	ssyncadd.s32 $0xFFFFC000  }
0xae: {  	_ =	swait.ge [sflag:s9], $0x4000  }
0xaf: {  	[sflag:s9] =	ssyncset.done $0x0  }
0xb0: {  	[sflag:s9] =	ssyncadd.s32 $0xFFFFC000  }
0xb1: {  	_ =	swait.ge [sflag:s8], $0x4000  }
0xb2: {  	[sflag:s8] =	ssyncset.done $0x0  }
0xb3: {  	p1 =	sne.s32 s0, $0x1;
	[sflag:s8] =	ssyncadd.s32 $0xFFFFC000  }
.Ltmp2:
0xb4: {  	_ =	swait.ge [sflag:s6], $0x4000;
	(pc) =	sbr.rel @p1 .LBB2_4-.Ltmp2, $4  }
0xb5: {  	[sflag:s6] =	ssyncset.done $0x0  }
0xb6: {  	[sflag:s6] =	ssyncadd.s32 $0xFFFFC000  }
0xb7: {  	_ =	swait.ge [sflag:s4], $0x4000  }
0xb8: {  	s0 =	sadd.s32 $0xFFFFFFFF, s0;
	s1 =	rddreg [dreg:$0x5];
	[sflag:s4] =	ssyncset.done $0x0  }
0xb9: {  	s30 =	simm.s32 $0x300;
	s31 =	simm.s32 $0x280;
	s29 =	rddreg [dreg:$0x4]  }
.LBB2_6:
0xba: {  	[sflag:s4] =	ssyncadd.s32 @p0 $0xFFFFC000  }
0xbb: {  	[tilespmem:s2], [sflag:$0xF] =	stream.linear.gather [hbm4b:s1+s2], $0x200, $0x38;
	[tilespmem:$0x1C400] =	vst v63  }
0xbc: {  	_ =	swait.ge [sflag:s28], $0x200  }
0xbd: {  	[sflag:s28] =	ssyncset.done $0x0  }
0xbe: {  	s0 =	rddreg [dreg:$0x6];
	[sflag:s28] =	ssyncadd.s32 $0xFFFFFE00  }
0xbf: {  	[tilespmem:s25], [sflag:$0xF] =	stream.linear.gather [hbm4b:s0+s2], $0x200, $0x38;
	[tilespmem:$0x1C400] =	vst v63  }
0xc0: {  	_ =	swait.ge [sflag:s28], $0x200  }
0xc1: {  	[sflag:s28] =	ssyncset.done $0x0  }
0xc2: {  	[sflag:s28] =	ssyncadd.s32 $0xFFFFFE00  }
0xc3: {  	[tilespmem:s5], [sflag:$0x1] =	stream.indirect.gather [hbm4b:s3+s21], $0x80, s2, s21, $0xb8;
	[tilespmem:$0x1C400] =	vst v63  }
0xc4: {  	_ = 	snop  }
0xc5: {  	[tilespmem:s20], [sflag:$0x2] =	stream.indirect.gather [hbm4b:s3+s21], $0x80, s21, s21, $0xb8;
	[tilespmem:$0x1C400] =	vst v63  }
0xc6: {  	s1 =	rddreg [dreg:$0xf]  }
0xc7: {  	[tilespmem:s18], [sflag:$0x3] =	stream.indirect.gather [hbm4b:s3+s21], $0x80, s1, s21, $0xb8;
	[tilespmem:$0x1C400] =	vst v63  }
0xc8: {  	s28 =	rddreg [dreg:$0x10]  }
0xc9: {  	[tilespmem:s16], [sflag:$0x4] =	stream.indirect.gather [hbm4b:s3+s21], $0x80, s28, s21, $0xb8;
	[tilespmem:$0x1C400] =	vst v63  }
0xca: {  	_ = 	snop  }
0xcb: {  	[tilespmem:s15], [sflag:$0x5] =	stream.indirect.gather [hbm4b:s3+s21], $0x80, s25, s21, $0xb8;
	[tilespmem:$0x1C400] =	vst v63  }
0xcc: {  	_ = 	snop  }
0xcd: {  	[tilespmem:s12], [sflag:$0x6] =	stream.indirect.gather [hbm4b:s3+s21], $0x80, s31, s21, $0xb8;
	[tilespmem:$0x1C400] =	vst v63  }
0xce: {  	_ = 	snop  }
0xcf: {  	[tilespmem:s10], [sflag:$0x7] =	stream.indirect.gather [hbm4b:s3+s21], $0x80, s30, s21, $0xb8;
	[tilespmem:$0x1C400] =	vst v63  }
0xd0: {  	_ =	swait.ge [sflag:s7], $0x4000  }
0xd1: {  	[sflag:s7] =	ssyncset.done $0x0  }
0xd2: {  	s31 =	rddreg [dreg:$0x7];
	[sflag:s7] =	ssyncadd.s32 $0xFFFFC000  }
0xd3: {  	[hbm4b:s31+s2] =	stream.linear.scatter [tilespmem:s5], [sflag:$0x8], $0x4000, $0x38;
	[tilespmem:$0x1C400] =	vst v63  }
0xd4: {  	_ =	swait.ge [sflag:s4], $0x4000  }
0xd5: {  	[sflag:s4] =	ssyncset.done $0x0  }
0xd6: {  	s1 =	simm.s32 $0x380;
	[sflag:s4] =	ssyncadd.s32 $0xFFFFC000  }
0xd7: {  	[tilespmem:s5], [sflag:$0x1] =	stream.indirect.gather [hbm4b:s3+s21], $0x80, s1, s21, $0xb8;
	[tilespmem:$0x1C400] =	vst v63  }
0xd8: {  	_ =	swait.ge [sflag:s26], $0x4000  }
0xd9: {  	[sflag:s26] =	ssyncset.done $0x0  }
0xda: {  	s3 =	rddreg [dreg:$0x8];
	[sflag:s26] =	ssyncadd.s32 $0xFFFFC000  }
0xdb: {  	[hbm4b:s3+s2] =	stream.linear.scatter [tilespmem:s20], [sflag:$0x9], $0x4000, $0x38;
	[tilespmem:$0x1C400] =	vst v63  }
0xdc: {  	_ =	swait.ge [sflag:s24], $0x4000  }
0xdd: {  	[sflag:s24] =	ssyncset.done $0x0  }
0xde: {  	s21 =	rddreg [dreg:$0x9];
	[sflag:s24] =	ssyncadd.s32 $0xFFFFC000  }
0xdf: {  	[hbm4b:s21+s2] =	stream.linear.scatter [tilespmem:s18], [sflag:$0xA], $0x4000, $0x38;
	[tilespmem:$0x1C400] =	vst v63  }
0xe0: {  	_ =	swait.ge [sflag:s23], $0x4000  }
0xe1: {  	[sflag:s23] =	ssyncset.done $0x0  }
0xe2: {  	s24 =	rddreg [dreg:$0xa];
	[sflag:s23] =	ssyncadd.s32 $0xFFFFC000  }
0xe3: {  	[hbm4b:s24+s2] =	stream.linear.scatter [tilespmem:s16], [sflag:$0xB], $0x4000, $0x38;
	[tilespmem:$0x1C400] =	vst v63  }
0xe4: {  	_ =	swait.ge [sflag:s22], $0x4000  }
0xe5: {  	[sflag:s22] =	ssyncset.done $0x0  }
0xe6: {  	s25 =	rddreg [dreg:$0xb];
	[sflag:s22] =	ssyncadd.s32 $0xFFFFC000  }
0xe7: {  	[hbm4b:s25+s2] =	stream.linear.scatter [tilespmem:s15], [sflag:$0xC], $0x4000, $0x38;
	[tilespmem:$0x1C400] =	vst v63  }
0xe8: {  	_ =	swait.ge [sflag:s19], $0x4000  }
0xe9: {  	[sflag:s19] =	ssyncset.done $0x0  }
0xea: {  	s26 =	rddreg [dreg:$0xc];
	[sflag:s19] =	ssyncadd.s32 $0xFFFFC000  }
0xeb: {  	[hbm4b:s26+s2] =	stream.linear.scatter [tilespmem:s12], [sflag:$0xD], $0x4000, $0x38;
	[tilespmem:$0x1C400] =	vst v63  }
0xec: {  	_ =	swait.ge [sflag:s17], $0x4000  }
0xed: {  	[sflag:s17] =	ssyncset.done $0x0  }
0xee: {  	s28 =	rddreg [dreg:$0xd];
	[sflag:s17] =	ssyncadd.s32 $0xFFFFC000  }
0xef: {  	[hbm4b:s28+s2] =	stream.linear.scatter [tilespmem:s10], [sflag:$0xE], $0x4000, $0x38;
	[tilespmem:$0x1C400] =	vst v63  }
0xf0: {  	_ =	swait.ge [sflag:s7], $0x4000  }
0xf1: {  	[sflag:s7] =	ssyncset.done $0x0  }
0xf2: {  	s30 =	rddreg [dreg:$0xe];
	[sflag:s7] =	ssyncadd.s32 $0xFFFFC000  }
0xf3: {  	[hbm4b:s30+s2] =	stream.linear.scatter [tilespmem:s5], [sflag:$0x8], $0x4000, $0x38;
	[tilespmem:$0x1C400] =	vst v63  }
0xf4: {  	_ =	swait.ge [sflag:s14], $0x4000  }
0xf5: {  	[sflag:s14] =	ssyncset.done $0x0  }
0xf6: {  	[sflag:s14] =	ssyncadd.s32 $0xFFFFC000  }
0xf7: {  	_ =	swait.ge [sflag:s13], $0x4000  }
0xf8: {  	[sflag:s13] =	ssyncset.done $0x0  }
0xf9: {  	[sflag:s13] =	ssyncadd.s32 $0xFFFFC000  }
0xfa: {  	_ =	swait.ge [sflag:s11], $0x4000  }
0xfb: {  	[sflag:s11] =	ssyncset.done $0x0  }
0xfc: {  	[sflag:s11] =	ssyncadd.s32 $0xFFFFC000  }
0xfd: {  	_ =	swait.ge [sflag:s9], $0x4000  }
0xfe: {  	[sflag:s9] =	ssyncset.done $0x0  }
0xff: {  	[sflag:s9] =	ssyncadd.s32 $0xFFFFC000  }
0x100: {  	_ =	swait.ge [sflag:s8], $0x4000  }
0x101: {  	[sflag:s8] =	ssyncset.done $0x0  }
0x102: {  	[sflag:s8] =	ssyncadd.s32 $0xFFFFC000  }
0x103: {  	_ =	swait.ge [sflag:s6], $0x4000  }
0x104: {  	[sflag:s6] =	ssyncset.done $0x0  }
0x105: {  	[sflag:s6] =	ssyncadd.s32 $0xFFFFC000  }
0x106: {  	_ =	swait.ge [sflag:s4], $0x4000  }
0x107: {  	[sflag:s4] =	ssyncset.done $0x0  }
0x108: {  	[sflag:s4] =	ssyncadd.s32 $0xFFFFC000  }
0x109: {  	_ =	sfence.sel $0x180000  }
0x10a: {  	s31 =	stileid.u32;
	[bflag:$0x0] =	sbarrier.arrive $0xFFFF  }
0x10b: {  	p0 =	sne.s32 s31, $0x0;
	_ =	strace $0x90000047  }
0x10c: {  	s0 =	sadd.s32 @!p0 $0x100000, s29;
	[bflag:$0x2] =	sbarrier.arrive $0xFFFF  }
0x10d: {  	[sflag:s0] =	ssyncadd.tile.s32 @!p0 $0x1;
	_ =	shalt  }
.LBB2_1:
.Ltmp3:
0x10e: {  	(pc) =	sbr.rel .LBB2_6-.Ltmp3, $2  }
0x10f: {  	_ =	sdelay $0x2  }
0x110: {  	s30 =	simm.s32 $0x300;
	s31 =	simm.s32 $0x280  }
.LBB2_3:
.Ltmp4:
0x111: {  	(pc) =	sbr.rel .LBB2_6-.Ltmp4, $2  }
0x112: {  	_ =	sdelay $0x2  }
0x113: {  	s30 =	simm.s32 $0x300;
	s31 =	simm.s32 $0x280;
	s29 =	rddreg [dreg:$0x4]  }
.Lfunc_end2:
_tile_overlayer_lowered:
.L_overlay_start_2:
0x114: {  	(tag) =	ssettag $0x2  }
0x115: {  	s0 =	rddreg [dreg:$0x0];
	s2 =	stileid.u32  }
0x116: {  	s1 =	rddreg [dreg:$0x1];
	p0 =	sne.s32 s2, $0x0  }
0x117: {  	s3 =	rddreg [dreg:$0x2];
	[bflag:$0x3] =	sbarrier.arrive $0xFFFF;
	s2 =	simm.s32 @!p0 $0x1C0F  }
0x118: {  	[timem:s3], [sflag:s2] =	dma.local @!p0 [hbm:s0], s1  }
0x119: {  	s0 =	simm.s32 @!p0 $0xF  }
0x11a: {  	_ =	swait.ge @!p0 [sflag:s0], s1  }
0x11b: {  	s1 =	ssub.s32 @!p0 $0x0, s1;
	[sflag:s0] =	ssyncset.done @!p0 $0x0  }
0x11c: {  	[sflag:s0] =	ssyncadd.s32 @!p0 s1  }
0x11d: {  	[bflag:$0x3] =	sbarrier.arrive $0xFFFF  }
0x11e: {  	_ =	shalt  }

</sc_bundles>
